<compile_context>
chip_gen: v7x
topology: tpu7x:2x2x1
jax: 0.10.2.dev20260603
libtpu: 0.0.44.dev20260713+nightly
codegen_flags: <defaults>
</compile_context>

<pallas_src>
import functools

import jax
import jax.numpy as jnp
from jax import lax
from jax.experimental import pallas as pl
from jax.experimental.pallas import tpu as pltpu
from jax.experimental.pallas import tpu_sc as plsc

NUM_CORES = 2
NUM_SUBCORES = 16
NW = NUM_CORES * NUM_SUBCORES

CHUNK = 128
NBUF = 8
AHEAD = 4


@functools.partial(jax.jit, static_argnames=("n_rows", "dim"))
def _sc_gather(weight, idx2d, *, n_rows, dim):
    chunks_total = idx2d.shape[0]
    cpw = chunks_total // NW

    mesh = plsc.VectorSubcoreMesh(core_axis_name="c", subcore_axis_name="s")

    @functools.partial(
        pl.kernel,
        mesh=mesh,
        compiler_params=pltpu.CompilerParams(use_tc_tiling_on_sc=False),
        out_type=jax.ShapeDtypeStruct((n_rows, dim), jnp.float32),
        scratch_types=[
            pltpu.VMEM((cpw, CHUNK), jnp.int32),
            pltpu.VMEM((NBUF, CHUNK, dim), jnp.float32),
            pltpu.SemaphoreType.DMA((NBUF,)),
            pltpu.SemaphoreType.DMA((NBUF,)),
        ],
    )
    def k(w_hbm, idx_hbm, out_hbm, idx_v, rows_v, gsem, ssem):
        wid = lax.axis_index("s") * NUM_CORES + lax.axis_index("c")
        base_chunk = wid * cpw
        base_row = wid * cpw * CHUNK

        pltpu.sync_copy(idx_hbm.at[pl.ds(base_chunk, cpw)], idx_v)

        def gather(c, b):
            pltpu.async_copy(w_hbm.at[idx_v.at[c]], rows_v.at[b], gsem.at[b])

        def gather_wait(c, b):
            pltpu.make_async_copy(
                w_hbm.at[idx_v.at[c]], rows_v.at[b], gsem.at[b]).wait()

        def store(c, b):
            pltpu.async_copy(
                rows_v.at[b], out_hbm.at[pl.ds(base_row + c * CHUNK, CHUNK)],
                ssem.at[b])

        def store_wait(c, b):
            pltpu.make_async_copy(
                rows_v.at[b], out_hbm.at[pl.ds(base_row + c * CHUNK, CHUNK)],
                ssem.at[b]).wait()

        for b in range(AHEAD):
            gather(b, b)

        @pl.loop(0, cpw, step=NBUF)
        def _(i0):
            for b in range(NBUF):
                i = i0 + b
                gather_wait(i, b)
                store(i, b)
                b2 = (b + AHEAD) % NBUF

                @pl.when(i >= NBUF - AHEAD)
                def _():
                    store_wait(i + AHEAD - NBUF, b2)

                @pl.when(i + AHEAD < cpw)
                def _():
                    gather(i + AHEAD, b2)

        for b in range(AHEAD):
            c = cpw - AHEAD + b
            store_wait(c, c % NBUF)

    return k(weight, idx2d)


def kernel(x, weight):
    b, f = x.shape
    n_rows = b * f
    dim = weight.shape[1]
    idx2d = x.reshape(n_rows // CHUNK, CHUNK)
    out = _sc_gather(weight, idx2d, n_rows=n_rows, dim=dim)
    return out.reshape(b, f, dim)

# --- scband reference (transcript-rebuilt; emitter-appended) ---
"""Pipeline reference for scband-harmonic-embedding-30571577213594 (READ-ONLY COPY).

The authoritative reference and input builder live on the scoring server;
editing this copy changes nothing except your own understanding.
"""

import math
import jax, jax.numpy as jnp
import numpy as np

NUM_EMBEDDINGS = 1000000
EMBEDDING_DIM = 64
BATCH = 16384
FIELDS = 100


def _build_harmonic_table():
    n_harmonics = EMBEDDING_DIM // 2
    angles = np.arange(NUM_EMBEDDINGS, dtype=np.float32) * np.float32(2 * math.pi / NUM_EMBEDDINGS)
    harmonics = np.arange(1, n_harmonics + 1, dtype=np.float32)
    phase = angles[:, None] * harmonics[None, :]
    emb = np.zeros((NUM_EMBEDDINGS, EMBEDDING_DIM), dtype=np.float32)
    emb[:, 0::2] = np.cos(phase)
    emb[:, 1::2] = np.sin(phase)
    emb *= np.float32(1.0 / math.sqrt(n_harmonics))
    return jnp.asarray(emb)


def setup_inputs(seed: int = 0) -> dict:
    key = jax.random.key(seed)
    x = jax.random.randint(key, (BATCH, FIELDS), 0, NUM_EMBEDDINGS, dtype=jnp.int32)
    weight = _build_harmonic_table()
    return {"x": x, "weight": weight}


def reference(x, weight):
    # F.embedding(x, weight) -> gather rows of weight
    return jnp.take(weight, x, axis=0)

if __name__ == "__main__":
    import jax
    _d = setup_inputs()
    print(jax.jit(kernel)(*tuple(_d.values())))

</pallas_src>

<mosaic_0001>
#map = affine_map<(d0, d1) -> (0, 0)>
module attributes {stable_mosaic.version = 14 : i64} {
  func.func @k(%arg0: i32, %arg1: i32, %arg2: memref<1000000x64xf32, #tpu.memory_space<hbm>>, %arg3: memref<12800x128xi32, #tpu.memory_space<hbm>>, %arg4: memref<1638400x64xf32, #tpu.memory_space<hbm>>, %arg5: memref<400x128xi32, #tpu.memory_space<vmem>>, %arg6: memref<8x128x64xf32, #tpu.memory_space<vmem>>, %arg7: memref<8x!tpu.dma_semaphore, #tpu.memory_space<semaphore_mem>>, %arg8: memref<8x!tpu.dma_semaphore, #tpu.memory_space<semaphore_mem>>) attributes {dimension_semantics = [#tpu.dimension_semantics<core_parallel>, #tpu.dimension_semantics<subcore_parallel>], iteration_bounds = array<i64: 2, 16>, scalar_prefetch = 0 : i64, scratch_operands = 4 : i64, tpu.core_type = #tpu.core_type<sc_vector_subcore>, window_params = [{transform_indices = #map}, {transform_indices = #map}, {transform_indices = #map}]} {
    %mul3A = arith.constant 2 : i32
    %mul3A_0 = arith.muli %arg1, %mul3A : i32
    %add3A = arith.addi %mul3A_0, %arg0 : i32
    %mul3A_1 = arith.constant 400 : i32
    %mul3A_2 = arith.muli %add3A, %mul3A_1 : i32
    %mul3A_3 = arith.constant 400 : i32
    %mul3A_4 = arith.muli %add3A, %mul3A_3 : i32
    %mul3A_5 = arith.constant 128 : i32
    %mul3A_6 = arith.muli %mul3A_4, %mul3A_5 : i32
    "tpu.region"() ({
      %run_scoped3A = tpu.sem_alloc : memref<!tpu.dma_semaphore, #tpu.memory_space<semaphore_mem>>
      %dma_start3A_141 = arith.constant 0 : i32
      %dma_start3A_142 = tpu.memref_slice %arg3[%mul3A_2, %dma_start3A_141] : memref<12800x128xi32, #tpu.memory_space<hbm>> -> memref<400x128xi32, #tpu.memory_space<hbm>>
      %dma_start3A_143 = arith.constant 0 : i32
      %dma_start3A_144 = tpu.memref_slice %arg3[%mul3A_2, %dma_start3A_143] : memref<12800x128xi32, #tpu.memory_space<hbm>> -> memref<400x128xi32, #tpu.memory_space<hbm>>
      tpu.enqueue_dma source(%dma_start3A_144 : memref<400x128xi32, #tpu.memory_space<hbm>>) target(%arg5 : memref<400x128xi32, #tpu.memory_space<vmem>>) target_semaphore(%run_scoped3A : memref<!tpu.dma_semaphore, #tpu.memory_space<semaphore_mem>>)
      %dma_wait3A_145 = arith.constant 0 : i32
      %dma_wait3A_146 = tpu.memref_slice %arg3[%mul3A_2, %dma_wait3A_145] : memref<12800x128xi32, #tpu.memory_space<hbm>> -> memref<400x128xi32, #tpu.memory_space<hbm>>
      %dma_wait3A_147 = arith.constant 0 : i32
      %dma_wait3A_148 = tpu.memref_slice %arg3[%mul3A_2, %dma_wait3A_147] : memref<12800x128xi32, #tpu.memory_space<hbm>> -> memref<400x128xi32, #tpu.memory_space<hbm>>
      tpu.wait_dma2 semaphore(%run_scoped3A : memref<!tpu.dma_semaphore, #tpu.memory_space<semaphore_mem>>) src(%dma_wait3A_148 : memref<400x128xi32, #tpu.memory_space<hbm>>) dst(%arg5 : memref<400x128xi32, #tpu.memory_space<vmem>>)
      tpu.yield
    }) : () -> ()
    %dma_start3A = arith.constant 0 : i32
    %dma_start3A_7 = arith.constant 0 : i32
    %dma_start3A_8 = arith.constant 0 : i32
    %dma_start3A_9 = arith.constant 0 : i32
    %dma_start3A_10 = arith.constant 0 : i32
    %dma_start3A_11 = tpu.memref_slice %arg6[%dma_start3A_7, %dma_start3A_9, %dma_start3A_10] : memref<8x128x64xf32, #tpu.memory_space<vmem>> -> memref<1x128x64xf32, #tpu.memory_space<vmem>>
    %dma_start3A_12 = tpu.memref_squeeze %dma_start3A_11 : memref<1x128x64xf32, #tpu.memory_space<vmem>> -> memref<128x64xf32, #tpu.memory_space<vmem>>
    %dma_start3A_13 = arith.constant 0 : i32
    %dma_start3A_14 = tpu.memref_slice %arg5[%dma_start3A, %dma_start3A_13] : memref<400x128xi32, #tpu.memory_space<vmem>> -> memref<1x128xi32, #tpu.memory_space<vmem>>
    %dma_start3A_15 = tpu.memref_squeeze %dma_start3A_14 : memref<1x128xi32, #tpu.memory_space<vmem>> -> memref<128xi32, #tpu.memory_space<vmem>>
    %dma_start3A_16 = arith.constant 0 : i32
    %dma_start3A_17 = arith.constant 0 : i32
    %dma_start3A_18 = tpu.memref_slice %arg2[%dma_start3A_16, %dma_start3A_17] : memref<1000000x64xf32, #tpu.memory_space<hbm>> -> memref<1000000x64xf32, #tpu.memory_space<hbm>>
    %dma_start3A_19 = tpu.memref_slice %arg7[%dma_start3A_8] : memref<8x!tpu.dma_semaphore, #tpu.memory_space<semaphore_mem>> -> memref<1x!tpu.dma_semaphore, #tpu.memory_space<semaphore_mem>>
    %dma_start3A_20 = tpu.memref_squeeze %dma_start3A_19 : memref<1x!tpu.dma_semaphore, #tpu.memory_space<semaphore_mem>> -> memref<!tpu.dma_semaphore, #tpu.memory_space<semaphore_mem>>
    tpu.enqueue_indirect_dma source(%dma_start3A_18 : memref<1000000x64xf32, #tpu.memory_space<hbm>>) target(%dma_start3A_12 : memref<128x64xf32, #tpu.memory_space<vmem>>) offsets(%dma_start3A_15 : memref<128xi32, #tpu.memory_space<vmem>>) semaphore(%dma_start3A_20 : memref<!tpu.dma_semaphore, #tpu.memory_space<semaphore_mem>>)
    %dma_start3A_21 = arith.constant 1 : i32
    %dma_start3A_22 = arith.constant 1 : i32
    %dma_start3A_23 = arith.constant 1 : i32
    %dma_start3A_24 = arith.constant 0 : i32
    %dma_start3A_25 = arith.constant 0 : i32
    %dma_start3A_26 = tpu.memref_slice %arg6[%dma_start3A_22, %dma_start3A_24, %dma_start3A_25] : memref<8x128x64xf32, #tpu.memory_space<vmem>> -> memref<1x128x64xf32, #tpu.memory_space<vmem>>
    %dma_start3A_27 = tpu.memref_squeeze %dma_start3A_26 : memref<1x128x64xf32, #tpu.memory_space<vmem>> -> memref<128x64xf32, #tpu.memory_space<vmem>>
    %dma_start3A_28 = arith.constant 0 : i32
    %dma_start3A_29 = tpu.memref_slice %arg5[%dma_start3A_21, %dma_start3A_28] : memref<400x128xi32, #tpu.memory_space<vmem>> -> memref<1x128xi32, #tpu.memory_space<vmem>>
    %dma_start3A_30 = tpu.memref_squeeze %dma_start3A_29 : memref<1x128xi32, #tpu.memory_space<vmem>> -> memref<128xi32, #tpu.memory_space<vmem>>
    %dma_start3A_31 = arith.constant 0 : i32
    %dma_start3A_32 = arith.constant 0 : i32
    %dma_start3A_33 = tpu.memref_slice %arg2[%dma_start3A_31, %dma_start3A_32] : memref<1000000x64xf32, #tpu.memory_space<hbm>> -> memref<1000000x64xf32, #tpu.memory_space<hbm>>
    %dma_start3A_34 = tpu.memref_slice %arg7[%dma_start3A_23] : memref<8x!tpu.dma_semaphore, #tpu.memory_space<semaphore_mem>> -> memref<1x!tpu.dma_semaphore, #tpu.memory_space<semaphore_mem>>
    %dma_start3A_35 = tpu.memref_squeeze %dma_start3A_34 : memref<1x!tpu.dma_semaphore, #tpu.memory_space<semaphore_mem>> -> memref<!tpu.dma_semaphore, #tpu.memory_space<semaphore_mem>>
    tpu.enqueue_indirect_dma source(%dma_start3A_33 : memref<1000000x64xf32, #tpu.memory_space<hbm>>) target(%dma_start3A_27 : memref<128x64xf32, #tpu.memory_space<vmem>>) offsets(%dma_start3A_30 : memref<128xi32, #tpu.memory_space<vmem>>) semaphore(%dma_start3A_35 : memref<!tpu.dma_semaphore, #tpu.memory_space<semaphore_mem>>)
    %dma_start3A_36 = arith.constant 2 : i32
    %dma_start3A_37 = arith.constant 2 : i32
    %dma_start3A_38 = arith.constant 2 : i32
    %dma_start3A_39 = arith.constant 0 : i32
    %dma_start3A_40 = arith.constant 0 : i32
    %dma_start3A_41 = tpu.memref_slice %arg6[%dma_start3A_37, %dma_start3A_39, %dma_start3A_40] : memref<8x128x64xf32, #tpu.memory_space<vmem>> -> memref<1x128x64xf32, #tpu.memory_space<vmem>>
    %dma_start3A_42 = tpu.memref_squeeze %dma_start3A_41 : memref<1x128x64xf32, #tpu.memory_space<vmem>> -> memref<128x64xf32, #tpu.memory_space<vmem>>
    %dma_start3A_43 = arith.constant 0 : i32
    %dma_start3A_44 = tpu.memref_slice %arg5[%dma_start3A_36, %dma_start3A_43] : memref<400x128xi32, #tpu.memory_space<vmem>> -> memref<1x128xi32, #tpu.memory_space<vmem>>
    %dma_start3A_45 = tpu.memref_squeeze %dma_start3A_44 : memref<1x128xi32, #tpu.memory_space<vmem>> -> memref<128xi32, #tpu.memory_space<vmem>>
    %dma_start3A_46 = arith.constant 0 : i32
    %dma_start3A_47 = arith.constant 0 : i32
    %dma_start3A_48 = tpu.memref_slice %arg2[%dma_start3A_46, %dma_start3A_47] : memref<1000000x64xf32, #tpu.memory_space<hbm>> -> memref<1000000x64xf32, #tpu.memory_space<hbm>>
    %dma_start3A_49 = tpu.memref_slice %arg7[%dma_start3A_38] : memref<8x!tpu.dma_semaphore, #tpu.memory_space<semaphore_mem>> -> memref<1x!tpu.dma_semaphore, #tpu.memory_space<semaphore_mem>>
    %dma_start3A_50 = tpu.memref_squeeze %dma_start3A_49 : memref<1x!tpu.dma_semaphore, #tpu.memory_space<semaphore_mem>> -> memref<!tpu.dma_semaphore, #tpu.memory_space<semaphore_mem>>
    tpu.enqueue_indirect_dma source(%dma_start3A_48 : memref<1000000x64xf32, #tpu.memory_space<hbm>>) target(%dma_start3A_42 : memref<128x64xf32, #tpu.memory_space<vmem>>) offsets(%dma_start3A_45 : memref<128xi32, #tpu.memory_space<vmem>>) semaphore(%dma_start3A_50 : memref<!tpu.dma_semaphore, #tpu.memory_space<semaphore_mem>>)
    %dma_start3A_51 = arith.constant 3 : i32
    %dma_start3A_52 = arith.constant 3 : i32
    %dma_start3A_53 = arith.constant 3 : i32
    %dma_start3A_54 = arith.constant 0 : i32
    %dma_start3A_55 = arith.constant 0 : i32
    %dma_start3A_56 = tpu.memref_slice %arg6[%dma_start3A_52, %dma_start3A_54, %dma_start3A_55] : memref<8x128x64xf32, #tpu.memory_space<vmem>> -> memref<1x128x64xf32, #tpu.memory_space<vmem>>
    %dma_start3A_57 = tpu.memref_squeeze %dma_start3A_56 : memref<1x128x64xf32, #tpu.memory_space<vmem>> -> memref<128x64xf32, #tpu.memory_space<vmem>>
    %dma_start3A_58 = arith.constant 0 : i32
    %dma_start3A_59 = tpu.memref_slice %arg5[%dma_start3A_51, %dma_start3A_58] : memref<400x128xi32, #tpu.memory_space<vmem>> -> memref<1x128xi32, #tpu.memory_space<vmem>>
    %dma_start3A_60 = tpu.memref_squeeze %dma_start3A_59 : memref<1x128xi32, #tpu.memory_space<vmem>> -> memref<128xi32, #tpu.memory_space<vmem>>
    %dma_start3A_61 = arith.constant 0 : i32
    %dma_start3A_62 = arith.constant 0 : i32
    %dma_start3A_63 = tpu.memref_slice %arg2[%dma_start3A_61, %dma_start3A_62] : memref<1000000x64xf32, #tpu.memory_space<hbm>> -> memref<1000000x64xf32, #tpu.memory_space<hbm>>
    %dma_start3A_64 = tpu.memref_slice %arg7[%dma_start3A_53] : memref<8x!tpu.dma_semaphore, #tpu.memory_space<semaphore_mem>> -> memref<1x!tpu.dma_semaphore, #tpu.memory_space<semaphore_mem>>
    %dma_start3A_65 = tpu.memref_squeeze %dma_start3A_64 : memref<1x!tpu.dma_semaphore, #tpu.memory_space<semaphore_mem>> -> memref<!tpu.dma_semaphore, #tpu.memory_space<semaphore_mem>>
    tpu.enqueue_indirect_dma source(%dma_start3A_63 : memref<1000000x64xf32, #tpu.memory_space<hbm>>) target(%dma_start3A_57 : memref<128x64xf32, #tpu.memory_space<vmem>>) offsets(%dma_start3A_60 : memref<128xi32, #tpu.memory_space<vmem>>) semaphore(%dma_start3A_65 : memref<!tpu.dma_semaphore, #tpu.memory_space<semaphore_mem>>)
    %scan3A = arith.constant 0 : i32
    %scan3A_66 = arith.constant 50 : i32
    %scan3A_67 = arith.addi %scan3A, %scan3A_66 : i32
    %scan3A_68 = arith.constant 1 : i32
    scf.for %scan3A_141 = %scan3A to %scan3A_67 step %scan3A_68  : i32 {
      %mul3A_142 = arith.constant 8 : i32
      %mul3A_143 = arith.muli %scan3A_141, %mul3A_142 : i32
      %add3A_144 = arith.constant 0 : i32
      %add3A_145 = arith.addi %add3A_144, %mul3A_143 : i32
      %add3A_146 = arith.constant 0 : i32
      %add3A_147 = arith.addi %add3A_145, %add3A_146 : i32
      %dma_wait3A_148 = arith.constant 0 : i32
      %dma_wait3A_149 = arith.constant 0 : i32
      %dma_wait3A_150 = arith.constant 0 : i32
      %dma_wait3A_151 = arith.constant 0 : i32
      %dma_wait3A_152 = tpu.memref_slice %arg6[%dma_wait3A_148, %dma_wait3A_150, %dma_wait3A_151] : memref<8x128x64xf32, #tpu.memory_space<vmem>> -> memref<1x128x64xf32, #tpu.memory_space<vmem>>
      %dma_wait3A_153 = tpu.memref_squeeze %dma_wait3A_152 : memref<1x128x64xf32, #tpu.memory_space<vmem>> -> memref<128x64xf32, #tpu.memory_space<vmem>>
      %dma_wait3A_154 = arith.constant 0 : i32
      %dma_wait3A_155 = tpu.memref_slice %arg5[%add3A_147, %dma_wait3A_154] : memref<400x128xi32, #tpu.memory_space<vmem>> -> memref<1x128xi32, #tpu.memory_space<vmem>>
      %dma_wait3A_156 = tpu.memref_squeeze %dma_wait3A_155 : memref<1x128xi32, #tpu.memory_space<vmem>> -> memref<128xi32, #tpu.memory_space<vmem>>
      %dma_wait3A_157 = arith.constant 0 : i32
      %dma_wait3A_158 = arith.constant 0 : i32
      %dma_wait3A_159 = tpu.memref_slice %arg2[%dma_wait3A_157, %dma_wait3A_158] : memref<1000000x64xf32, #tpu.memory_space<hbm>> -> memref<1000000x64xf32, #tpu.memory_space<hbm>>
      %dma_wait3A_160 = tpu.memref_slice %arg7[%dma_wait3A_149] : memref<8x!tpu.dma_semaphore, #tpu.memory_space<semaphore_mem>> -> memref<1x!tpu.dma_semaphore, #tpu.memory_space<semaphore_mem>>
      %dma_wait3A_161 = tpu.memref_squeeze %dma_wait3A_160 : memref<1x!tpu.dma_semaphore, #tpu.memory_space<semaphore_mem>> -> memref<!tpu.dma_semaphore, #tpu.memory_space<semaphore_mem>>
      tpu.wait_indirect_dma semaphore(%dma_wait3A_161 : memref<!tpu.dma_semaphore, #tpu.memory_space<semaphore_mem>>) src(%dma_wait3A_159 : memref<1000000x64xf32, #tpu.memory_space<hbm>>) dst(%dma_wait3A_153 : memref<128x64xf32, #tpu.memory_space<vmem>>)
      %mul3A_162 = arith.constant 128 : i32
      %mul3A_163 = arith.muli %add3A_147, %mul3A_162 : i32
      %add3A_164 = arith.addi %mul3A_6, %mul3A_163 : i32
      %dma_start3A_165 = arith.constant 0 : i32
      %dma_start3A_166 = arith.constant 0 : i32
      %dma_start3A_167 = arith.constant 0 : i32
      %dma_start3A_168 = arith.constant 0 : i32
      %dma_start3A_169 = tpu.memref_slice %arg6[%dma_start3A_165, %dma_start3A_167, %dma_start3A_168] : memref<8x128x64xf32, #tpu.memory_space<vmem>> -> memref<1x128x64xf32, #tpu.memory_space<vmem>>
      %dma_start3A_170 = tpu.memref_squeeze %dma_start3A_169 : memref<1x128x64xf32, #tpu.memory_space<vmem>> -> memref<128x64xf32, #tpu.memory_space<vmem>>
      %dma_start3A_171 = arith.constant 0 : i32
      %dma_start3A_172 = tpu.memref_slice %arg4[%add3A_164, %dma_start3A_171] : memref<1638400x64xf32, #tpu.memory_space<hbm>> -> memref<128x64xf32, #tpu.memory_space<hbm>>
      %dma_start3A_173 = tpu.memref_slice %arg8[%dma_start3A_166] : memref<8x!tpu.dma_semaphore, #tpu.memory_space<semaphore_mem>> -> memref<1x!tpu.dma_semaphore, #tpu.memory_space<semaphore_mem>>
      %dma_start3A_174 = tpu.memref_squeeze %dma_start3A_173 : memref<1x!tpu.dma_semaphore, #tpu.memory_space<semaphore_mem>> -> memref<!tpu.dma_semaphore, #tpu.memory_space<semaphore_mem>>
      %dma_start3A_175 = arith.constant 0 : i32
      %dma_start3A_176 = tpu.memref_slice %arg4[%add3A_164, %dma_start3A_175] : memref<1638400x64xf32, #tpu.memory_space<hbm>> -> memref<128x64xf32, #tpu.memory_space<hbm>>
      %dma_start3A_177 = arith.constant 0 : i32
      %dma_start3A_178 = arith.constant 0 : i32
      %dma_start3A_179 = tpu.memref_slice %arg6[%dma_start3A_165, %dma_start3A_177, %dma_start3A_178] : memref<8x128x64xf32, #tpu.memory_space<vmem>> -> memref<1x128x64xf32, #tpu.memory_space<vmem>>
      %dma_start3A_180 = tpu.memref_squeeze %dma_start3A_179 : memref<1x128x64xf32, #tpu.memory_space<vmem>> -> memref<128x64xf32, #tpu.memory_space<vmem>>
      tpu.enqueue_dma source(%dma_start3A_180 : memref<128x64xf32, #tpu.memory_space<vmem>>) target(%dma_start3A_176 : memref<128x64xf32, #tpu.memory_space<hbm>>) target_semaphore(%dma_start3A_174 : memref<!tpu.dma_semaphore, #tpu.memory_space<semaphore_mem>>)
      %ge3A = arith.constant 4 : i32
      %ge3A_181 = arith.cmpi sge, %add3A_147, %ge3A : i32
      %convert_element_type3A = arith.extui %ge3A_181 : i1 to i32
      %cond3A = arith.constant 0 : i32
      %cond3A_182 = arith.cmpi ne, %convert_element_type3A, %cond3A : i32
      scf.if %cond3A_182 {
        %add3A_518 = arith.constant 4 : i32
        %add3A_519 = arith.addi %add3A_147, %add3A_518 : i32
        %sub3A = arith.constant 8 : i32
        %sub3A_520 = arith.subi %add3A_519, %sub3A : i32
        %mul3A_521 = arith.constant 128 : i32
        %mul3A_522 = arith.muli %sub3A_520, %mul3A_521 : i32
        %add3A_523 = arith.addi %mul3A_6, %mul3A_522 : i32
        %dma_wait3A_524 = arith.constant 4 : i32
        %dma_wait3A_525 = arith.constant 4 : i32
        %dma_wait3A_526 = arith.constant 0 : i32
        %dma_wait3A_527 = arith.constant 0 : i32
        %dma_wait3A_528 = tpu.memref_slice %arg6[%dma_wait3A_524, %dma_wait3A_526, %dma_wait3A_527] : memref<8x128x64xf32, #tpu.memory_space<vmem>> -> memref<1x128x64xf32, #tpu.memory_space<vmem>>
        %dma_wait3A_529 = tpu.memref_squeeze %dma_wait3A_528 : memref<1x128x64xf32, #tpu.memory_space<vmem>> -> memref<128x64xf32, #tpu.memory_space<vmem>>
        %dma_wait3A_530 = arith.constant 0 : i32
        %dma_wait3A_531 = tpu.memref_slice %arg4[%add3A_523, %dma_wait3A_530] : memref<1638400x64xf32, #tpu.memory_space<hbm>> -> memref<128x64xf32, #tpu.memory_space<hbm>>
        %dma_wait3A_532 = tpu.memref_slice %arg8[%dma_wait3A_525] : memref<8x!tpu.dma_semaphore, #tpu.memory_space<semaphore_mem>> -> memref<1x!tpu.dma_semaphore, #tpu.memory_space<semaphore_mem>>
        %dma_wait3A_533 = tpu.memref_squeeze %dma_wait3A_532 : memref<1x!tpu.dma_semaphore, #tpu.memory_space<semaphore_mem>> -> memref<!tpu.dma_semaphore, #tpu.memory_space<semaphore_mem>>
        %dma_wait3A_534 = arith.constant 0 : i32
        %dma_wait3A_535 = tpu.memref_slice %arg4[%add3A_523, %dma_wait3A_534] : memref<1638400x64xf32, #tpu.memory_space<hbm>> -> memref<128x64xf32, #tpu.memory_space<hbm>>
        %dma_wait3A_536 = arith.constant 0 : i32
        %dma_wait3A_537 = arith.constant 0 : i32
        %dma_wait3A_538 = tpu.memref_slice %arg6[%dma_wait3A_524, %dma_wait3A_536, %dma_wait3A_537] : memref<8x128x64xf32, #tpu.memory_space<vmem>> -> memref<1x128x64xf32, #tpu.memory_space<vmem>>
        %dma_wait3A_539 = tpu.memref_squeeze %dma_wait3A_538 : memref<1x128x64xf32, #tpu.memory_space<vmem>> -> memref<128x64xf32, #tpu.memory_space<vmem>>
        tpu.wait_dma2 semaphore(%dma_wait3A_533 : memref<!tpu.dma_semaphore, #tpu.memory_space<semaphore_mem>>) src(%dma_wait3A_539 : memref<128x64xf32, #tpu.memory_space<vmem>>) dst(%dma_wait3A_535 : memref<128x64xf32, #tpu.memory_space<hbm>>)
      } else {
      }
      %add3A_183 = arith.constant 4 : i32
      %add3A_184 = arith.addi %add3A_147, %add3A_183 : i32
      %lt3A = arith.constant 400 : i32
      %lt3A_185 = arith.cmpi slt, %add3A_184, %lt3A : i32
      %convert_element_type3A_186 = arith.extui %lt3A_185 : i1 to i32
      %cond3A_187 = arith.constant 0 : i32
      %cond3A_188 = arith.cmpi ne, %convert_element_type3A_186, %cond3A_187 : i32
      scf.if %cond3A_188 {
        %add3A_518 = arith.constant 4 : i32
        %add3A_519 = arith.addi %add3A_147, %add3A_518 : i32
        %dma_start3A_520 = arith.constant 4 : i32
        %dma_start3A_521 = arith.constant 4 : i32
        %dma_start3A_522 = arith.constant 0 : i32
        %dma_start3A_523 = arith.constant 0 : i32
        %dma_start3A_524 = tpu.memref_slice %arg6[%dma_start3A_520, %dma_start3A_522, %dma_start3A_523] : memref<8x128x64xf32, #tpu.memory_space<vmem>> -> memref<1x128x64xf32, #tpu.memory_space<vmem>>
        %dma_start3A_525 = tpu.memref_squeeze %dma_start3A_524 : memref<1x128x64xf32, #tpu.memory_space<vmem>> -> memref<128x64xf32, #tpu.memory_space<vmem>>
        %dma_start3A_526 = arith.constant 0 : i32
        %dma_start3A_527 = tpu.memref_slice %arg5[%add3A_519, %dma_start3A_526] : memref<400x128xi32, #tpu.memory_space<vmem>> -> memref<1x128xi32, #tpu.memory_space<vmem>>
        %dma_start3A_528 = tpu.memref_squeeze %dma_start3A_527 : memref<1x128xi32, #tpu.memory_space<vmem>> -> memref<128xi32, #tpu.memory_space<vmem>>
        %dma_start3A_529 = arith.constant 0 : i32
        %dma_start3A_530 = arith.constant 0 : i32
        %dma_start3A_531 = tpu.memref_slice %arg2[%dma_start3A_529, %dma_start3A_530] : memref<1000000x64xf32, #tpu.memory_space<hbm>> -> memref<1000000x64xf32, #tpu.memory_space<hbm>>
        %dma_start3A_532 = tpu.memref_slice %arg7[%dma_start3A_521] : memref<8x!tpu.dma_semaphore, #tpu.memory_space<semaphore_mem>> -> memref<1x!tpu.dma_semaphore, #tpu.memory_space<semaphore_mem>>
        %dma_start3A_533 = tpu.memref_squeeze %dma_start3A_532 : memref<1x!tpu.dma_semaphore, #tpu.memory_space<semaphore_mem>> -> memref<!tpu.dma_semaphore, #tpu.memory_space<semaphore_mem>>
        tpu.enqueue_indirect_dma source(%dma_start3A_531 : memref<1000000x64xf32, #tpu.memory_space<hbm>>) target(%dma_start3A_525 : memref<128x64xf32, #tpu.memory_space<vmem>>) offsets(%dma_start3A_528 : memref<128xi32, #tpu.memory_space<vmem>>) semaphore(%dma_start3A_533 : memref<!tpu.dma_semaphore, #tpu.memory_space<semaphore_mem>>)
      } else {
      }
      %add3A_189 = arith.constant 1 : i32
      %add3A_190 = arith.addi %add3A_145, %add3A_189 : i32
      %dma_wait3A_191 = arith.constant 1 : i32
      %dma_wait3A_192 = arith.constant 1 : i32
      %dma_wait3A_193 = arith.constant 0 : i32
      %dma_wait3A_194 = arith.constant 0 : i32
      %dma_wait3A_195 = tpu.memref_slice %arg6[%dma_wait3A_191, %dma_wait3A_193, %dma_wait3A_194] : memref<8x128x64xf32, #tpu.memory_space<vmem>> -> memref<1x128x64xf32, #tpu.memory_space<vmem>>
      %dma_wait3A_196 = tpu.memref_squeeze %dma_wait3A_195 : memref<1x128x64xf32, #tpu.memory_space<vmem>> -> memref<128x64xf32, #tpu.memory_space<vmem>>
      %dma_wait3A_197 = arith.constant 0 : i32
      %dma_wait3A_198 = tpu.memref_slice %arg5[%add3A_190, %dma_wait3A_197] : memref<400x128xi32, #tpu.memory_space<vmem>> -> memref<1x128xi32, #tpu.memory_space<vmem>>
      %dma_wait3A_199 = tpu.memref_squeeze %dma_wait3A_198 : memref<1x128xi32, #tpu.memory_space<vmem>> -> memref<128xi32, #tpu.memory_space<vmem>>
      %dma_wait3A_200 = arith.constant 0 : i32
      %dma_wait3A_201 = arith.constant 0 : i32
      %dma_wait3A_202 = tpu.memref_slice %arg2[%dma_wait3A_200, %dma_wait3A_201] : memref<1000000x64xf32, #tpu.memory_space<hbm>> -> memref<1000000x64xf32, #tpu.memory_space<hbm>>
      %dma_wait3A_203 = tpu.memref_slice %arg7[%dma_wait3A_192] : memref<8x!tpu.dma_semaphore, #tpu.memory_space<semaphore_mem>> -> memref<1x!tpu.dma_semaphore, #tpu.memory_space<semaphore_mem>>
      %dma_wait3A_204 = tpu.memref_squeeze %dma_wait3A_203 : memref<1x!tpu.dma_semaphore, #tpu.memory_space<semaphore_mem>> -> memref<!tpu.dma_semaphore, #tpu.memory_space<semaphore_mem>>
      tpu.wait_indirect_dma semaphore(%dma_wait3A_204 : memref<!tpu.dma_semaphore, #tpu.memory_space<semaphore_mem>>) src(%dma_wait3A_202 : memref<1000000x64xf32, #tpu.memory_space<hbm>>) dst(%dma_wait3A_196 : memref<128x64xf32, #tpu.memory_space<vmem>>)
      %mul3A_205 = arith.constant 128 : i32
      %mul3A_206 = arith.muli %add3A_190, %mul3A_205 : i32
      %add3A_207 = arith.addi %mul3A_6, %mul3A_206 : i32
      %dma_start3A_208 = arith.constant 1 : i32
      %dma_start3A_209 = arith.constant 1 : i32
      %dma_start3A_210 = arith.constant 0 : i32
      %dma_start3A_211 = arith.constant 0 : i32
      %dma_start3A_212 = tpu.memref_slice %arg6[%dma_start3A_208, %dma_start3A_210, %dma_start3A_211] : memref<8x128x64xf32, #tpu.memory_space<vmem>> -> memref<1x128x64xf32, #tpu.memory_space<vmem>>
      %dma_start3A_213 = tpu.memref_squeeze %dma_start3A_212 : memref<1x128x64xf32, #tpu.memory_space<vmem>> -> memref<128x64xf32, #tpu.memory_space<vmem>>
      %dma_start3A_214 = arith.constant 0 : i32
      %dma_start3A_215 = tpu.memref_slice %arg4[%add3A_207, %dma_start3A_214] : memref<1638400x64xf32, #tpu.memory_space<hbm>> -> memref<128x64xf32, #tpu.memory_space<hbm>>
      %dma_start3A_216 = tpu.memref_slice %arg8[%dma_start3A_209] : memref<8x!tpu.dma_semaphore, #tpu.memory_space<semaphore_mem>> -> memref<1x!tpu.dma_semaphore, #tpu.memory_space<semaphore_mem>>
      %dma_start3A_217 = tpu.memref_squeeze %dma_start3A_216 : memref<1x!tpu.dma_semaphore, #tpu.memory_space<semaphore_mem>> -> memref<!tpu.dma_semaphore, #tpu.memory_space<semaphore_mem>>
      %dma_start3A_218 = arith.constant 0 : i32
      %dma_start3A_219 = tpu.memref_slice %arg4[%add3A_207, %dma_start3A_218] : memref<1638400x64xf32, #tpu.memory_space<hbm>> -> memref<128x64xf32, #tpu.memory_space<hbm>>
      %dma_start3A_220 = arith.constant 0 : i32
      %dma_start3A_221 = arith.constant 0 : i32
      %dma_start3A_222 = tpu.memref_slice %arg6[%dma_start3A_208, %dma_start3A_220, %dma_start3A_221] : memref<8x128x64xf32, #tpu.memory_space<vmem>> -> memref<1x128x64xf32, #tpu.memory_space<vmem>>
      %dma_start3A_223 = tpu.memref_squeeze %dma_start3A_222 : memref<1x128x64xf32, #tpu.memory_space<vmem>> -> memref<128x64xf32, #tpu.memory_space<vmem>>
      tpu.enqueue_dma source(%dma_start3A_223 : memref<128x64xf32, #tpu.memory_space<vmem>>) target(%dma_start3A_219 : memref<128x64xf32, #tpu.memory_space<hbm>>) target_semaphore(%dma_start3A_217 : memref<!tpu.dma_semaphore, #tpu.memory_space<semaphore_mem>>)
      %ge3A_224 = arith.constant 4 : i32
      %ge3A_225 = arith.cmpi sge, %add3A_190, %ge3A_224 : i32
      %convert_element_type3A_226 = arith.extui %ge3A_225 : i1 to i32
      %cond3A_227 = arith.constant 0 : i32
      %cond3A_228 = arith.cmpi ne, %convert_element_type3A_226, %cond3A_227 : i32
      scf.if %cond3A_228 {
        %add3A_518 = arith.constant 4 : i32
        %add3A_519 = arith.addi %add3A_190, %add3A_518 : i32
        %sub3A = arith.constant 8 : i32
        %sub3A_520 = arith.subi %add3A_519, %sub3A : i32
        %mul3A_521 = arith.constant 128 : i32
        %mul3A_522 = arith.muli %sub3A_520, %mul3A_521 : i32
        %add3A_523 = arith.addi %mul3A_6, %mul3A_522 : i32
        %dma_wait3A_524 = arith.constant 5 : i32
        %dma_wait3A_525 = arith.constant 5 : i32
        %dma_wait3A_526 = arith.constant 0 : i32
        %dma_wait3A_527 = arith.constant 0 : i32
        %dma_wait3A_528 = tpu.memref_slice %arg6[%dma_wait3A_524, %dma_wait3A_526, %dma_wait3A_527] : memref<8x128x64xf32, #tpu.memory_space<vmem>> -> memref<1x128x64xf32, #tpu.memory_space<vmem>>
        %dma_wait3A_529 = tpu.memref_squeeze %dma_wait3A_528 : memref<1x128x64xf32, #tpu.memory_space<vmem>> -> memref<128x64xf32, #tpu.memory_space<vmem>>
        %dma_wait3A_530 = arith.constant 0 : i32
        %dma_wait3A_531 = tpu.memref_slice %arg4[%add3A_523, %dma_wait3A_530] : memref<1638400x64xf32, #tpu.memory_space<hbm>> -> memref<128x64xf32, #tpu.memory_space<hbm>>
        %dma_wait3A_532 = tpu.memref_slice %arg8[%dma_wait3A_525] : memref<8x!tpu.dma_semaphore, #tpu.memory_space<semaphore_mem>> -> memref<1x!tpu.dma_semaphore, #tpu.memory_space<semaphore_mem>>
        %dma_wait3A_533 = tpu.memref_squeeze %dma_wait3A_532 : memref<1x!tpu.dma_semaphore, #tpu.memory_space<semaphore_mem>> -> memref<!tpu.dma_semaphore, #tpu.memory_space<semaphore_mem>>
        %dma_wait3A_534 = arith.constant 0 : i32
        %dma_wait3A_535 = tpu.memref_slice %arg4[%add3A_523, %dma_wait3A_534] : memref<1638400x64xf32, #tpu.memory_space<hbm>> -> memref<128x64xf32, #tpu.memory_space<hbm>>
        %dma_wait3A_536 = arith.constant 0 : i32
        %dma_wait3A_537 = arith.constant 0 : i32
        %dma_wait3A_538 = tpu.memref_slice %arg6[%dma_wait3A_524, %dma_wait3A_536, %dma_wait3A_537] : memref<8x128x64xf32, #tpu.memory_space<vmem>> -> memref<1x128x64xf32, #tpu.memory_space<vmem>>
        %dma_wait3A_539 = tpu.memref_squeeze %dma_wait3A_538 : memref<1x128x64xf32, #tpu.memory_space<vmem>> -> memref<128x64xf32, #tpu.memory_space<vmem>>
        tpu.wait_dma2 semaphore(%dma_wait3A_533 : memref<!tpu.dma_semaphore, #tpu.memory_space<semaphore_mem>>) src(%dma_wait3A_539 : memref<128x64xf32, #tpu.memory_space<vmem>>) dst(%dma_wait3A_535 : memref<128x64xf32, #tpu.memory_space<hbm>>)
      } else {
      }
      %add3A_229 = arith.constant 4 : i32
      %add3A_230 = arith.addi %add3A_190, %add3A_229 : i32
      %lt3A_231 = arith.constant 400 : i32
      %lt3A_232 = arith.cmpi slt, %add3A_230, %lt3A_231 : i32
      %convert_element_type3A_233 = arith.extui %lt3A_232 : i1 to i32
      %cond3A_234 = arith.constant 0 : i32
      %cond3A_235 = arith.cmpi ne, %convert_element_type3A_233, %cond3A_234 : i32
      scf.if %cond3A_235 {
        %add3A_518 = arith.constant 4 : i32
        %add3A_519 = arith.addi %add3A_190, %add3A_518 : i32
        %dma_start3A_520 = arith.constant 5 : i32
        %dma_start3A_521 = arith.constant 5 : i32
        %dma_start3A_522 = arith.constant 0 : i32
        %dma_start3A_523 = arith.constant 0 : i32
        %dma_start3A_524 = tpu.memref_slice %arg6[%dma_start3A_520, %dma_start3A_522, %dma_start3A_523] : memref<8x128x64xf32, #tpu.memory_space<vmem>> -> memref<1x128x64xf32, #tpu.memory_space<vmem>>
        %dma_start3A_525 = tpu.memref_squeeze %dma_start3A_524 : memref<1x128x64xf32, #tpu.memory_space<vmem>> -> memref<128x64xf32, #tpu.memory_space<vmem>>
        %dma_start3A_526 = arith.constant 0 : i32
        %dma_start3A_527 = tpu.memref_slice %arg5[%add3A_519, %dma_start3A_526] : memref<400x128xi32, #tpu.memory_space<vmem>> -> memref<1x128xi32, #tpu.memory_space<vmem>>
        %dma_start3A_528 = tpu.memref_squeeze %dma_start3A_527 : memref<1x128xi32, #tpu.memory_space<vmem>> -> memref<128xi32, #tpu.memory_space<vmem>>
        %dma_start3A_529 = arith.constant 0 : i32
        %dma_start3A_530 = arith.constant 0 : i32
        %dma_start3A_531 = tpu.memref_slice %arg2[%dma_start3A_529, %dma_start3A_530] : memref<1000000x64xf32, #tpu.memory_space<hbm>> -> memref<1000000x64xf32, #tpu.memory_space<hbm>>
        %dma_start3A_532 = tpu.memref_slice %arg7[%dma_start3A_521] : memref<8x!tpu.dma_semaphore, #tpu.memory_space<semaphore_mem>> -> memref<1x!tpu.dma_semaphore, #tpu.memory_space<semaphore_mem>>
        %dma_start3A_533 = tpu.memref_squeeze %dma_start3A_532 : memref<1x!tpu.dma_semaphore, #tpu.memory_space<semaphore_mem>> -> memref<!tpu.dma_semaphore, #tpu.memory_space<semaphore_mem>>
        tpu.enqueue_indirect_dma source(%dma_start3A_531 : memref<1000000x64xf32, #tpu.memory_space<hbm>>) target(%dma_start3A_525 : memref<128x64xf32, #tpu.memory_space<vmem>>) offsets(%dma_start3A_528 : memref<128xi32, #tpu.memory_space<vmem>>) semaphore(%dma_start3A_533 : memref<!tpu.dma_semaphore, #tpu.memory_space<semaphore_mem>>)
      } else {
      }
      %add3A_236 = arith.constant 2 : i32
      %add3A_237 = arith.addi %add3A_145, %add3A_236 : i32
      %dma_wait3A_238 = arith.constant 2 : i32
      %dma_wait3A_239 = arith.constant 2 : i32
      %dma_wait3A_240 = arith.constant 0 : i32
      %dma_wait3A_241 = arith.constant 0 : i32
      %dma_wait3A_242 = tpu.memref_slice %arg6[%dma_wait3A_238, %dma_wait3A_240, %dma_wait3A_241] : memref<8x128x64xf32, #tpu.memory_space<vmem>> -> memref<1x128x64xf32, #tpu.memory_space<vmem>>
      %dma_wait3A_243 = tpu.memref_squeeze %dma_wait3A_242 : memref<1x128x64xf32, #tpu.memory_space<vmem>> -> memref<128x64xf32, #tpu.memory_space<vmem>>
      %dma_wait3A_244 = arith.constant 0 : i32
      %dma_wait3A_245 = tpu.memref_slice %arg5[%add3A_237, %dma_wait3A_244] : memref<400x128xi32, #tpu.memory_space<vmem>> -> memref<1x128xi32, #tpu.memory_space<vmem>>
      %dma_wait3A_246 = tpu.memref_squeeze %dma_wait3A_245 : memref<1x128xi32, #tpu.memory_space<vmem>> -> memref<128xi32, #tpu.memory_space<vmem>>
      %dma_wait3A_247 = arith.constant 0 : i32
      %dma_wait3A_248 = arith.constant 0 : i32
      %dma_wait3A_249 = tpu.memref_slice %arg2[%dma_wait3A_247, %dma_wait3A_248] : memref<1000000x64xf32, #tpu.memory_space<hbm>> -> memref<1000000x64xf32, #tpu.memory_space<hbm>>
      %dma_wait3A_250 = tpu.memref_slice %arg7[%dma_wait3A_239] : memref<8x!tpu.dma_semaphore, #tpu.memory_space<semaphore_mem>> -> memref<1x!tpu.dma_semaphore, #tpu.memory_space<semaphore_mem>>
      %dma_wait3A_251 = tpu.memref_squeeze %dma_wait3A_250 : memref<1x!tpu.dma_semaphore, #tpu.memory_space<semaphore_mem>> -> memref<!tpu.dma_semaphore, #tpu.memory_space<semaphore_mem>>
      tpu.wait_indirect_dma semaphore(%dma_wait3A_251 : memref<!tpu.dma_semaphore, #tpu.memory_space<semaphore_mem>>) src(%dma_wait3A_249 : memref<1000000x64xf32, #tpu.memory_space<hbm>>) dst(%dma_wait3A_243 : memref<128x64xf32, #tpu.memory_space<vmem>>)
      %mul3A_252 = arith.constant 128 : i32
      %mul3A_253 = arith.muli %add3A_237, %mul3A_252 : i32
      %add3A_254 = arith.addi %mul3A_6, %mul3A_253 : i32
      %dma_start3A_255 = arith.constant 2 : i32
      %dma_start3A_256 = arith.constant 2 : i32
      %dma_start3A_257 = arith.constant 0 : i32
      %dma_start3A_258 = arith.constant 0 : i32
      %dma_start3A_259 = tpu.memref_slice %arg6[%dma_start3A_255, %dma_start3A_257, %dma_start3A_258] : memref<8x128x64xf32, #tpu.memory_space<vmem>> -> memref<1x128x64xf32, #tpu.memory_space<vmem>>
      %dma_start3A_260 = tpu.memref_squeeze %dma_start3A_259 : memref<1x128x64xf32, #tpu.memory_space<vmem>> -> memref<128x64xf32, #tpu.memory_space<vmem>>
      %dma_start3A_261 = arith.constant 0 : i32
      %dma_start3A_262 = tpu.memref_slice %arg4[%add3A_254, %dma_start3A_261] : memref<1638400x64xf32, #tpu.memory_space<hbm>> -> memref<128x64xf32, #tpu.memory_space<hbm>>
      %dma_start3A_263 = tpu.memref_slice %arg8[%dma_start3A_256] : memref<8x!tpu.dma_semaphore, #tpu.memory_space<semaphore_mem>> -> memref<1x!tpu.dma_semaphore, #tpu.memory_space<semaphore_mem>>
      %dma_start3A_264 = tpu.memref_squeeze %dma_start3A_263 : memref<1x!tpu.dma_semaphore, #tpu.memory_space<semaphore_mem>> -> memref<!tpu.dma_semaphore, #tpu.memory_space<semaphore_mem>>
      %dma_start3A_265 = arith.constant 0 : i32
      %dma_start3A_266 = tpu.memref_slice %arg4[%add3A_254, %dma_start3A_265] : memref<1638400x64xf32, #tpu.memory_space<hbm>> -> memref<128x64xf32, #tpu.memory_space<hbm>>
      %dma_start3A_267 = arith.constant 0 : i32
      %dma_start3A_268 = arith.constant 0 : i32
      %dma_start3A_269 = tpu.memref_slice %arg6[%dma_start3A_255, %dma_start3A_267, %dma_start3A_268] : memref<8x128x64xf32, #tpu.memory_space<vmem>> -> memref<1x128x64xf32, #tpu.memory_space<vmem>>
      %dma_start3A_270 = tpu.memref_squeeze %dma_start3A_269 : memref<1x128x64xf32, #tpu.memory_space<vmem>> -> memref<128x64xf32, #tpu.memory_space<vmem>>
      tpu.enqueue_dma source(%dma_start3A_270 : memref<128x64xf32, #tpu.memory_space<vmem>>) target(%dma_start3A_266 : memref<128x64xf32, #tpu.memory_space<hbm>>) target_semaphore(%dma_start3A_264 : memref<!tpu.dma_semaphore, #tpu.memory_space<semaphore_mem>>)
      %ge3A_271 = arith.constant 4 : i32
      %ge3A_272 = arith.cmpi sge, %add3A_237, %ge3A_271 : i32
      %convert_element_type3A_273 = arith.extui %ge3A_272 : i1 to i32
      %cond3A_274 = arith.constant 0 : i32
      %cond3A_275 = arith.cmpi ne, %convert_element_type3A_273, %cond3A_274 : i32
      scf.if %cond3A_275 {
        %add3A_518 = arith.constant 4 : i32
        %add3A_519 = arith.addi %add3A_237, %add3A_518 : i32
        %sub3A = arith.constant 8 : i32
        %sub3A_520 = arith.subi %add3A_519, %sub3A : i32
        %mul3A_521 = arith.constant 128 : i32
        %mul3A_522 = arith.muli %sub3A_520, %mul3A_521 : i32
        %add3A_523 = arith.addi %mul3A_6, %mul3A_522 : i32
        %dma_wait3A_524 = arith.constant 6 : i32
        %dma_wait3A_525 = arith.constant 6 : i32
        %dma_wait3A_526 = arith.constant 0 : i32
        %dma_wait3A_527 = arith.constant 0 : i32
        %dma_wait3A_528 = tpu.memref_slice %arg6[%dma_wait3A_524, %dma_wait3A_526, %dma_wait3A_527] : memref<8x128x64xf32, #tpu.memory_space<vmem>> -> memref<1x128x64xf32, #tpu.memory_space<vmem>>
        %dma_wait3A_529 = tpu.memref_squeeze %dma_wait3A_528 : memref<1x128x64xf32, #tpu.memory_space<vmem>> -> memref<128x64xf32, #tpu.memory_space<vmem>>
        %dma_wait3A_530 = arith.constant 0 : i32
        %dma_wait3A_531 = tpu.memref_slice %arg4[%add3A_523, %dma_wait3A_530] : memref<1638400x64xf32, #tpu.memory_space<hbm>> -> memref<128x64xf32, #tpu.memory_space<hbm>>
        %dma_wait3A_532 = tpu.memref_slice %arg8[%dma_wait3A_525] : memref<8x!tpu.dma_semaphore, #tpu.memory_space<semaphore_mem>> -> memref<1x!tpu.dma_semaphore, #tpu.memory_space<semaphore_mem>>
        %dma_wait3A_533 = tpu.memref_squeeze %dma_wait3A_532 : memref<1x!tpu.dma_semaphore, #tpu.memory_space<semaphore_mem>> -> memref<!tpu.dma_semaphore, #tpu.memory_space<semaphore_mem>>
        %dma_wait3A_534 = arith.constant 0 : i32
        %dma_wait3A_535 = tpu.memref_slice %arg4[%add3A_523, %dma_wait3A_534] : memref<1638400x64xf32, #tpu.memory_space<hbm>> -> memref<128x64xf32, #tpu.memory_space<hbm>>
        %dma_wait3A_536 = arith.constant 0 : i32
        %dma_wait3A_537 = arith.constant 0 : i32
        %dma_wait3A_538 = tpu.memref_slice %arg6[%dma_wait3A_524, %dma_wait3A_536, %dma_wait3A_537] : memref<8x128x64xf32, #tpu.memory_space<vmem>> -> memref<1x128x64xf32, #tpu.memory_space<vmem>>
        %dma_wait3A_539 = tpu.memref_squeeze %dma_wait3A_538 : memref<1x128x64xf32, #tpu.memory_space<vmem>> -> memref<128x64xf32, #tpu.memory_space<vmem>>
        tpu.wait_dma2 semaphore(%dma_wait3A_533 : memref<!tpu.dma_semaphore, #tpu.memory_space<semaphore_mem>>) src(%dma_wait3A_539 : memref<128x64xf32, #tpu.memory_space<vmem>>) dst(%dma_wait3A_535 : memref<128x64xf32, #tpu.memory_space<hbm>>)
      } else {
      }
      %add3A_276 = arith.constant 4 : i32
      %add3A_277 = arith.addi %add3A_237, %add3A_276 : i32
      %lt3A_278 = arith.constant 400 : i32
      %lt3A_279 = arith.cmpi slt, %add3A_277, %lt3A_278 : i32
      %convert_element_type3A_280 = arith.extui %lt3A_279 : i1 to i32
      %cond3A_281 = arith.constant 0 : i32
      %cond3A_282 = arith.cmpi ne, %convert_element_type3A_280, %cond3A_281 : i32
      scf.if %cond3A_282 {
        %add3A_518 = arith.constant 4 : i32
        %add3A_519 = arith.addi %add3A_237, %add3A_518 : i32
        %dma_start3A_520 = arith.constant 6 : i32
        %dma_start3A_521 = arith.constant 6 : i32
        %dma_start3A_522 = arith.constant 0 : i32
        %dma_start3A_523 = arith.constant 0 : i32
        %dma_start3A_524 = tpu.memref_slice %arg6[%dma_start3A_520, %dma_start3A_522, %dma_start3A_523] : memref<8x128x64xf32, #tpu.memory_space<vmem>> -> memref<1x128x64xf32, #tpu.memory_space<vmem>>
        %dma_start3A_525 = tpu.memref_squeeze %dma_start3A_524 : memref<1x128x64xf32, #tpu.memory_space<vmem>> -> memref<128x64xf32, #tpu.memory_space<vmem>>
        %dma_start3A_526 = arith.constant 0 : i32
        %dma_start3A_527 = tpu.memref_slice %arg5[%add3A_519, %dma_start3A_526] : memref<400x128xi32, #tpu.memory_space<vmem>> -> memref<1x128xi32, #tpu.memory_space<vmem>>
        %dma_start3A_528 = tpu.memref_squeeze %dma_start3A_527 : memref<1x128xi32, #tpu.memory_space<vmem>> -> memref<128xi32, #tpu.memory_space<vmem>>
        %dma_start3A_529 = arith.constant 0 : i32
        %dma_start3A_530 = arith.constant 0 : i32
        %dma_start3A_531 = tpu.memref_slice %arg2[%dma_start3A_529, %dma_start3A_530] : memref<1000000x64xf32, #tpu.memory_space<hbm>> -> memref<1000000x64xf32, #tpu.memory_space<hbm>>
        %dma_start3A_532 = tpu.memref_slice %arg7[%dma_start3A_521] : memref<8x!tpu.dma_semaphore, #tpu.memory_space<semaphore_mem>> -> memref<1x!tpu.dma_semaphore, #tpu.memory_space<semaphore_mem>>
        %dma_start3A_533 = tpu.memref_squeeze %dma_start3A_532 : memref<1x!tpu.dma_semaphore, #tpu.memory_space<semaphore_mem>> -> memref<!tpu.dma_semaphore, #tpu.memory_space<semaphore_mem>>
        tpu.enqueue_indirect_dma source(%dma_start3A_531 : memref<1000000x64xf32, #tpu.memory_space<hbm>>) target(%dma_start3A_525 : memref<128x64xf32, #tpu.memory_space<vmem>>) offsets(%dma_start3A_528 : memref<128xi32, #tpu.memory_space<vmem>>) semaphore(%dma_start3A_533 : memref<!tpu.dma_semaphore, #tpu.memory_space<semaphore_mem>>)
      } else {
      }
      %add3A_283 = arith.constant 3 : i32
      %add3A_284 = arith.addi %add3A_145, %add3A_283 : i32
      %dma_wait3A_285 = arith.constant 3 : i32
      %dma_wait3A_286 = arith.constant 3 : i32
      %dma_wait3A_287 = arith.constant 0 : i32
      %dma_wait3A_288 = arith.constant 0 : i32
      %dma_wait3A_289 = tpu.memref_slice %arg6[%dma_wait3A_285, %dma_wait3A_287, %dma_wait3A_288] : memref<8x128x64xf32, #tpu.memory_space<vmem>> -> memref<1x128x64xf32, #tpu.memory_space<vmem>>
      %dma_wait3A_290 = tpu.memref_squeeze %dma_wait3A_289 : memref<1x128x64xf32, #tpu.memory_space<vmem>> -> memref<128x64xf32, #tpu.memory_space<vmem>>
      %dma_wait3A_291 = arith.constant 0 : i32
      %dma_wait3A_292 = tpu.memref_slice %arg5[%add3A_284, %dma_wait3A_291] : memref<400x128xi32, #tpu.memory_space<vmem>> -> memref<1x128xi32, #tpu.memory_space<vmem>>
      %dma_wait3A_293 = tpu.memref_squeeze %dma_wait3A_292 : memref<1x128xi32, #tpu.memory_space<vmem>> -> memref<128xi32, #tpu.memory_space<vmem>>
      %dma_wait3A_294 = arith.constant 0 : i32
      %dma_wait3A_295 = arith.constant 0 : i32
      %dma_wait3A_296 = tpu.memref_slice %arg2[%dma_wait3A_294, %dma_wait3A_295] : memref<1000000x64xf32, #tpu.memory_space<hbm>> -> memref<1000000x64xf32, #tpu.memory_space<hbm>>
      %dma_wait3A_297 = tpu.memref_slice %arg7[%dma_wait3A_286] : memref<8x!tpu.dma_semaphore, #tpu.memory_space<semaphore_mem>> -> memref<1x!tpu.dma_semaphore, #tpu.memory_space<semaphore_mem>>
      %dma_wait3A_298 = tpu.memref_squeeze %dma_wait3A_297 : memref<1x!tpu.dma_semaphore, #tpu.memory_space<semaphore_mem>> -> memref<!tpu.dma_semaphore, #tpu.memory_space<semaphore_mem>>
      tpu.wait_indirect_dma semaphore(%dma_wait3A_298 : memref<!tpu.dma_semaphore, #tpu.memory_space<semaphore_mem>>) src(%dma_wait3A_296 : memref<1000000x64xf32, #tpu.memory_space<hbm>>) dst(%dma_wait3A_290 : memref<128x64xf32, #tpu.memory_space<vmem>>)
      %mul3A_299 = arith.constant 128 : i32
      %mul3A_300 = arith.muli %add3A_284, %mul3A_299 : i32
      %add3A_301 = arith.addi %mul3A_6, %mul3A_300 : i32
      %dma_start3A_302 = arith.constant 3 : i32
      %dma_start3A_303 = arith.constant 3 : i32
      %dma_start3A_304 = arith.constant 0 : i32
      %dma_start3A_305 = arith.constant 0 : i32
      %dma_start3A_306 = tpu.memref_slice %arg6[%dma_start3A_302, %dma_start3A_304, %dma_start3A_305] : memref<8x128x64xf32, #tpu.memory_space<vmem>> -> memref<1x128x64xf32, #tpu.memory_space<vmem>>
      %dma_start3A_307 = tpu.memref_squeeze %dma_start3A_306 : memref<1x128x64xf32, #tpu.memory_space<vmem>> -> memref<128x64xf32, #tpu.memory_space<vmem>>
      %dma_start3A_308 = arith.constant 0 : i32
      %dma_start3A_309 = tpu.memref_slice %arg4[%add3A_301, %dma_start3A_308] : memref<1638400x64xf32, #tpu.memory_space<hbm>> -> memref<128x64xf32, #tpu.memory_space<hbm>>
      %dma_start3A_310 = tpu.memref_slice %arg8[%dma_start3A_303] : memref<8x!tpu.dma_semaphore, #tpu.memory_space<semaphore_mem>> -> memref<1x!tpu.dma_semaphore, #tpu.memory_space<semaphore_mem>>
      %dma_start3A_311 = tpu.memref_squeeze %dma_start3A_310 : memref<1x!tpu.dma_semaphore, #tpu.memory_space<semaphore_mem>> -> memref<!tpu.dma_semaphore, #tpu.memory_space<semaphore_mem>>
      %dma_start3A_312 = arith.constant 0 : i32
      %dma_start3A_313 = tpu.memref_slice %arg4[%add3A_301, %dma_start3A_312] : memref<1638400x64xf32, #tpu.memory_space<hbm>> -> memref<128x64xf32, #tpu.memory_space<hbm>>
      %dma_start3A_314 = arith.constant 0 : i32
      %dma_start3A_315 = arith.constant 0 : i32
      %dma_start3A_316 = tpu.memref_slice %arg6[%dma_start3A_302, %dma_start3A_314, %dma_start3A_315] : memref<8x128x64xf32, #tpu.memory_space<vmem>> -> memref<1x128x64xf32, #tpu.memory_space<vmem>>
      %dma_start3A_317 = tpu.memref_squeeze %dma_start3A_316 : memref<1x128x64xf32, #tpu.memory_space<vmem>> -> memref<128x64xf32, #tpu.memory_space<vmem>>
      tpu.enqueue_dma source(%dma_start3A_317 : memref<128x64xf32, #tpu.memory_space<vmem>>) target(%dma_start3A_313 : memref<128x64xf32, #tpu.memory_space<hbm>>) target_semaphore(%dma_start3A_311 : memref<!tpu.dma_semaphore, #tpu.memory_space<semaphore_mem>>)
      %ge3A_318 = arith.constant 4 : i32
      %ge3A_319 = arith.cmpi sge, %add3A_284, %ge3A_318 : i32
      %convert_element_type3A_320 = arith.extui %ge3A_319 : i1 to i32
      %cond3A_321 = arith.constant 0 : i32
      %cond3A_322 = arith.cmpi ne, %convert_element_type3A_320, %cond3A_321 : i32
      scf.if %cond3A_322 {
        %add3A_518 = arith.constant 4 : i32
        %add3A_519 = arith.addi %add3A_284, %add3A_518 : i32
        %sub3A = arith.constant 8 : i32
        %sub3A_520 = arith.subi %add3A_519, %sub3A : i32
        %mul3A_521 = arith.constant 128 : i32
        %mul3A_522 = arith.muli %sub3A_520, %mul3A_521 : i32
        %add3A_523 = arith.addi %mul3A_6, %mul3A_522 : i32
        %dma_wait3A_524 = arith.constant 7 : i32
        %dma_wait3A_525 = arith.constant 7 : i32
        %dma_wait3A_526 = arith.constant 0 : i32
        %dma_wait3A_527 = arith.constant 0 : i32
        %dma_wait3A_528 = tpu.memref_slice %arg6[%dma_wait3A_524, %dma_wait3A_526, %dma_wait3A_527] : memref<8x128x64xf32, #tpu.memory_space<vmem>> -> memref<1x128x64xf32, #tpu.memory_space<vmem>>
        %dma_wait3A_529 = tpu.memref_squeeze %dma_wait3A_528 : memref<1x128x64xf32, #tpu.memory_space<vmem>> -> memref<128x64xf32, #tpu.memory_space<vmem>>
        %dma_wait3A_530 = arith.constant 0 : i32
        %dma_wait3A_531 = tpu.memref_slice %arg4[%add3A_523, %dma_wait3A_530] : memref<1638400x64xf32, #tpu.memory_space<hbm>> -> memref<128x64xf32, #tpu.memory_space<hbm>>
        %dma_wait3A_532 = tpu.memref_slice %arg8[%dma_wait3A_525] : memref<8x!tpu.dma_semaphore, #tpu.memory_space<semaphore_mem>> -> memref<1x!tpu.dma_semaphore, #tpu.memory_space<semaphore_mem>>
        %dma_wait3A_533 = tpu.memref_squeeze %dma_wait3A_532 : memref<1x!tpu.dma_semaphore, #tpu.memory_space<semaphore_mem>> -> memref<!tpu.dma_semaphore, #tpu.memory_space<semaphore_mem>>
        %dma_wait3A_534 = arith.constant 0 : i32
        %dma_wait3A_535 = tpu.memref_slice %arg4[%add3A_523, %dma_wait3A_534] : memref<1638400x64xf32, #tpu.memory_space<hbm>> -> memref<128x64xf32, #tpu.memory_space<hbm>>
        %dma_wait3A_536 = arith.constant 0 : i32
        %dma_wait3A_537 = arith.constant 0 : i32
        %dma_wait3A_538 = tpu.memref_slice %arg6[%dma_wait3A_524, %dma_wait3A_536, %dma_wait3A_537] : memref<8x128x64xf32, #tpu.memory_space<vmem>> -> memref<1x128x64xf32, #tpu.memory_space<vmem>>
        %dma_wait3A_539 = tpu.memref_squeeze %dma_wait3A_538 : memref<1x128x64xf32, #tpu.memory_space<vmem>> -> memref<128x64xf32, #tpu.memory_space<vmem>>
        tpu.wait_dma2 semaphore(%dma_wait3A_533 : memref<!tpu.dma_semaphore, #tpu.memory_space<semaphore_mem>>) src(%dma_wait3A_539 : memref<128x64xf32, #tpu.memory_space<vmem>>) dst(%dma_wait3A_535 : memref<128x64xf32, #tpu.memory_space<hbm>>)
      } else {
      }
      %add3A_323 = arith.constant 4 : i32
      %add3A_324 = arith.addi %add3A_284, %add3A_323 : i32
      %lt3A_325 = arith.constant 400 : i32
      %lt3A_326 = arith.cmpi slt, %add3A_324, %lt3A_325 : i32
      %convert_element_type3A_327 = arith.extui %lt3A_326 : i1 to i32
      %cond3A_328 = arith.constant 0 : i32
      %cond3A_329 = arith.cmpi ne, %convert_element_type3A_327, %cond3A_328 : i32
      scf.if %cond3A_329 {
        %add3A_518 = arith.constant 4 : i32
        %add3A_519 = arith.addi %add3A_284, %add3A_518 : i32
        %dma_start3A_520 = arith.constant 7 : i32
        %dma_start3A_521 = arith.constant 7 : i32
        %dma_start3A_522 = arith.constant 0 : i32
        %dma_start3A_523 = arith.constant 0 : i32
        %dma_start3A_524 = tpu.memref_slice %arg6[%dma_start3A_520, %dma_start3A_522, %dma_start3A_523] : memref<8x128x64xf32, #tpu.memory_space<vmem>> -> memref<1x128x64xf32, #tpu.memory_space<vmem>>
        %dma_start3A_525 = tpu.memref_squeeze %dma_start3A_524 : memref<1x128x64xf32, #tpu.memory_space<vmem>> -> memref<128x64xf32, #tpu.memory_space<vmem>>
        %dma_start3A_526 = arith.constant 0 : i32
        %dma_start3A_527 = tpu.memref_slice %arg5[%add3A_519, %dma_start3A_526] : memref<400x128xi32, #tpu.memory_space<vmem>> -> memref<1x128xi32, #tpu.memory_space<vmem>>
        %dma_start3A_528 = tpu.memref_squeeze %dma_start3A_527 : memref<1x128xi32, #tpu.memory_space<vmem>> -> memref<128xi32, #tpu.memory_space<vmem>>
        %dma_start3A_529 = arith.constant 0 : i32
        %dma_start3A_530 = arith.constant 0 : i32
        %dma_start3A_531 = tpu.memref_slice %arg2[%dma_start3A_529, %dma_start3A_530] : memref<1000000x64xf32, #tpu.memory_space<hbm>> -> memref<1000000x64xf32, #tpu.memory_space<hbm>>
        %dma_start3A_532 = tpu.memref_slice %arg7[%dma_start3A_521] : memref<8x!tpu.dma_semaphore, #tpu.memory_space<semaphore_mem>> -> memref<1x!tpu.dma_semaphore, #tpu.memory_space<semaphore_mem>>
        %dma_start3A_533 = tpu.memref_squeeze %dma_start3A_532 : memref<1x!tpu.dma_semaphore, #tpu.memory_space<semaphore_mem>> -> memref<!tpu.dma_semaphore, #tpu.memory_space<semaphore_mem>>
        tpu.enqueue_indirect_dma source(%dma_start3A_531 : memref<1000000x64xf32, #tpu.memory_space<hbm>>) target(%dma_start3A_525 : memref<128x64xf32, #tpu.memory_space<vmem>>) offsets(%dma_start3A_528 : memref<128xi32, #tpu.memory_space<vmem>>) semaphore(%dma_start3A_533 : memref<!tpu.dma_semaphore, #tpu.memory_space<semaphore_mem>>)
      } else {
      }
      %add3A_330 = arith.constant 4 : i32
      %add3A_331 = arith.addi %add3A_145, %add3A_330 : i32
      %dma_wait3A_332 = arith.constant 4 : i32
      %dma_wait3A_333 = arith.constant 4 : i32
      %dma_wait3A_334 = arith.constant 0 : i32
      %dma_wait3A_335 = arith.constant 0 : i32
      %dma_wait3A_336 = tpu.memref_slice %arg6[%dma_wait3A_332, %dma_wait3A_334, %dma_wait3A_335] : memref<8x128x64xf32, #tpu.memory_space<vmem>> -> memref<1x128x64xf32, #tpu.memory_space<vmem>>
      %dma_wait3A_337 = tpu.memref_squeeze %dma_wait3A_336 : memref<1x128x64xf32, #tpu.memory_space<vmem>> -> memref<128x64xf32, #tpu.memory_space<vmem>>
      %dma_wait3A_338 = arith.constant 0 : i32
      %dma_wait3A_339 = tpu.memref_slice %arg5[%add3A_331, %dma_wait3A_338] : memref<400x128xi32, #tpu.memory_space<vmem>> -> memref<1x128xi32, #tpu.memory_space<vmem>>
      %dma_wait3A_340 = tpu.memref_squeeze %dma_wait3A_339 : memref<1x128xi32, #tpu.memory_space<vmem>> -> memref<128xi32, #tpu.memory_space<vmem>>
      %dma_wait3A_341 = arith.constant 0 : i32
      %dma_wait3A_342 = arith.constant 0 : i32
      %dma_wait3A_343 = tpu.memref_slice %arg2[%dma_wait3A_341, %dma_wait3A_342] : memref<1000000x64xf32, #tpu.memory_space<hbm>> -> memref<1000000x64xf32, #tpu.memory_space<hbm>>
      %dma_wait3A_344 = tpu.memref_slice %arg7[%dma_wait3A_333] : memref<8x!tpu.dma_semaphore, #tpu.memory_space<semaphore_mem>> -> memref<1x!tpu.dma_semaphore, #tpu.memory_space<semaphore_mem>>
      %dma_wait3A_345 = tpu.memref_squeeze %dma_wait3A_344 : memref<1x!tpu.dma_semaphore, #tpu.memory_space<semaphore_mem>> -> memref<!tpu.dma_semaphore, #tpu.memory_space<semaphore_mem>>
      tpu.wait_indirect_dma semaphore(%dma_wait3A_345 : memref<!tpu.dma_semaphore, #tpu.memory_space<semaphore_mem>>) src(%dma_wait3A_343 : memref<1000000x64xf32, #tpu.memory_space<hbm>>) dst(%dma_wait3A_337 : memref<128x64xf32, #tpu.memory_space<vmem>>)
      %mul3A_346 = arith.constant 128 : i32
      %mul3A_347 = arith.muli %add3A_331, %mul3A_346 : i32
      %add3A_348 = arith.addi %mul3A_6, %mul3A_347 : i32
      %dma_start3A_349 = arith.constant 4 : i32
      %dma_start3A_350 = arith.constant 4 : i32
      %dma_start3A_351 = arith.constant 0 : i32
      %dma_start3A_352 = arith.constant 0 : i32
      %dma_start3A_353 = tpu.memref_slice %arg6[%dma_start3A_349, %dma_start3A_351, %dma_start3A_352] : memref<8x128x64xf32, #tpu.memory_space<vmem>> -> memref<1x128x64xf32, #tpu.memory_space<vmem>>
      %dma_start3A_354 = tpu.memref_squeeze %dma_start3A_353 : memref<1x128x64xf32, #tpu.memory_space<vmem>> -> memref<128x64xf32, #tpu.memory_space<vmem>>
      %dma_start3A_355 = arith.constant 0 : i32
      %dma_start3A_356 = tpu.memref_slice %arg4[%add3A_348, %dma_start3A_355] : memref<1638400x64xf32, #tpu.memory_space<hbm>> -> memref<128x64xf32, #tpu.memory_space<hbm>>
      %dma_start3A_357 = tpu.memref_slice %arg8[%dma_start3A_350] : memref<8x!tpu.dma_semaphore, #tpu.memory_space<semaphore_mem>> -> memref<1x!tpu.dma_semaphore, #tpu.memory_space<semaphore_mem>>
      %dma_start3A_358 = tpu.memref_squeeze %dma_start3A_357 : memref<1x!tpu.dma_semaphore, #tpu.memory_space<semaphore_mem>> -> memref<!tpu.dma_semaphore, #tpu.memory_space<semaphore_mem>>
      %dma_start3A_359 = arith.constant 0 : i32
      %dma_start3A_360 = tpu.memref_slice %arg4[%add3A_348, %dma_start3A_359] : memref<1638400x64xf32, #tpu.memory_space<hbm>> -> memref<128x64xf32, #tpu.memory_space<hbm>>
      %dma_start3A_361 = arith.constant 0 : i32
      %dma_start3A_362 = arith.constant 0 : i32
      %dma_start3A_363 = tpu.memref_slice %arg6[%dma_start3A_349, %dma_start3A_361, %dma_start3A_362] : memref<8x128x64xf32, #tpu.memory_space<vmem>> -> memref<1x128x64xf32, #tpu.memory_space<vmem>>
      %dma_start3A_364 = tpu.memref_squeeze %dma_start3A_363 : memref<1x128x64xf32, #tpu.memory_space<vmem>> -> memref<128x64xf32, #tpu.memory_space<vmem>>
      tpu.enqueue_dma source(%dma_start3A_364 : memref<128x64xf32, #tpu.memory_space<vmem>>) target(%dma_start3A_360 : memref<128x64xf32, #tpu.memory_space<hbm>>) target_semaphore(%dma_start3A_358 : memref<!tpu.dma_semaphore, #tpu.memory_space<semaphore_mem>>)
      %ge3A_365 = arith.constant 4 : i32
      %ge3A_366 = arith.cmpi sge, %add3A_331, %ge3A_365 : i32
      %convert_element_type3A_367 = arith.extui %ge3A_366 : i1 to i32
      %cond3A_368 = arith.constant 0 : i32
      %cond3A_369 = arith.cmpi ne, %convert_element_type3A_367, %cond3A_368 : i32
      scf.if %cond3A_369 {
        %add3A_518 = arith.constant 4 : i32
        %add3A_519 = arith.addi %add3A_331, %add3A_518 : i32
        %sub3A = arith.constant 8 : i32
        %sub3A_520 = arith.subi %add3A_519, %sub3A : i32
        %mul3A_521 = arith.constant 128 : i32
        %mul3A_522 = arith.muli %sub3A_520, %mul3A_521 : i32
        %add3A_523 = arith.addi %mul3A_6, %mul3A_522 : i32
        %dma_wait3A_524 = arith.constant 0 : i32
        %dma_wait3A_525 = arith.constant 0 : i32
        %dma_wait3A_526 = arith.constant 0 : i32
        %dma_wait3A_527 = arith.constant 0 : i32
        %dma_wait3A_528 = tpu.memref_slice %arg6[%dma_wait3A_524, %dma_wait3A_526, %dma_wait3A_527] : memref<8x128x64xf32, #tpu.memory_space<vmem>> -> memref<1x128x64xf32, #tpu.memory_space<vmem>>
        %dma_wait3A_529 = tpu.memref_squeeze %dma_wait3A_528 : memref<1x128x64xf32, #tpu.memory_space<vmem>> -> memref<128x64xf32, #tpu.memory_space<vmem>>
        %dma_wait3A_530 = arith.constant 0 : i32
        %dma_wait3A_531 = tpu.memref_slice %arg4[%add3A_523, %dma_wait3A_530] : memref<1638400x64xf32, #tpu.memory_space<hbm>> -> memref<128x64xf32, #tpu.memory_space<hbm>>
        %dma_wait3A_532 = tpu.memref_slice %arg8[%dma_wait3A_525] : memref<8x!tpu.dma_semaphore, #tpu.memory_space<semaphore_mem>> -> memref<1x!tpu.dma_semaphore, #tpu.memory_space<semaphore_mem>>
        %dma_wait3A_533 = tpu.memref_squeeze %dma_wait3A_532 : memref<1x!tpu.dma_semaphore, #tpu.memory_space<semaphore_mem>> -> memref<!tpu.dma_semaphore, #tpu.memory_space<semaphore_mem>>
        %dma_wait3A_534 = arith.constant 0 : i32
        %dma_wait3A_535 = tpu.memref_slice %arg4[%add3A_523, %dma_wait3A_534] : memref<1638400x64xf32, #tpu.memory_space<hbm>> -> memref<128x64xf32, #tpu.memory_space<hbm>>
        %dma_wait3A_536 = arith.constant 0 : i32
        %dma_wait3A_537 = arith.constant 0 : i32
        %dma_wait3A_538 = tpu.memref_slice %arg6[%dma_wait3A_524, %dma_wait3A_536, %dma_wait3A_537] : memref<8x128x64xf32, #tpu.memory_space<vmem>> -> memref<1x128x64xf32, #tpu.memory_space<vmem>>
        %dma_wait3A_539 = tpu.memref_squeeze %dma_wait3A_538 : memref<1x128x64xf32, #tpu.memory_space<vmem>> -> memref<128x64xf32, #tpu.memory_space<vmem>>
        tpu.wait_dma2 semaphore(%dma_wait3A_533 : memref<!tpu.dma_semaphore, #tpu.memory_space<semaphore_mem>>) src(%dma_wait3A_539 : memref<128x64xf32, #tpu.memory_space<vmem>>) dst(%dma_wait3A_535 : memref<128x64xf32, #tpu.memory_space<hbm>>)
      } else {
      }
      %add3A_370 = arith.constant 4 : i32
      %add3A_371 = arith.addi %add3A_331, %add3A_370 : i32
      %lt3A_372 = arith.constant 400 : i32
      %lt3A_373 = arith.cmpi slt, %add3A_371, %lt3A_372 : i32
      %convert_element_type3A_374 = arith.extui %lt3A_373 : i1 to i32
      %cond3A_375 = arith.constant 0 : i32
      %cond3A_376 = arith.cmpi ne, %convert_element_type3A_374, %cond3A_375 : i32
      scf.if %cond3A_376 {
        %add3A_518 = arith.constant 4 : i32
        %add3A_519 = arith.addi %add3A_331, %add3A_518 : i32
        %dma_start3A_520 = arith.constant 0 : i32
        %dma_start3A_521 = arith.constant 0 : i32
        %dma_start3A_522 = arith.constant 0 : i32
        %dma_start3A_523 = arith.constant 0 : i32
        %dma_start3A_524 = tpu.memref_slice %arg6[%dma_start3A_520, %dma_start3A_522, %dma_start3A_523] : memref<8x128x64xf32, #tpu.memory_space<vmem>> -> memref<1x128x64xf32, #tpu.memory_space<vmem>>
        %dma_start3A_525 = tpu.memref_squeeze %dma_start3A_524 : memref<1x128x64xf32, #tpu.memory_space<vmem>> -> memref<128x64xf32, #tpu.memory_space<vmem>>
        %dma_start3A_526 = arith.constant 0 : i32
        %dma_start3A_527 = tpu.memref_slice %arg5[%add3A_519, %dma_start3A_526] : memref<400x128xi32, #tpu.memory_space<vmem>> -> memref<1x128xi32, #tpu.memory_space<vmem>>
        %dma_start3A_528 = tpu.memref_squeeze %dma_start3A_527 : memref<1x128xi32, #tpu.memory_space<vmem>> -> memref<128xi32, #tpu.memory_space<vmem>>
        %dma_start3A_529 = arith.constant 0 : i32
        %dma_start3A_530 = arith.constant 0 : i32
        %dma_start3A_531 = tpu.memref_slice %arg2[%dma_start3A_529, %dma_start3A_530] : memref<1000000x64xf32, #tpu.memory_space<hbm>> -> memref<1000000x64xf32, #tpu.memory_space<hbm>>
        %dma_start3A_532 = tpu.memref_slice %arg7[%dma_start3A_521] : memref<8x!tpu.dma_semaphore, #tpu.memory_space<semaphore_mem>> -> memref<1x!tpu.dma_semaphore, #tpu.memory_space<semaphore_mem>>
        %dma_start3A_533 = tpu.memref_squeeze %dma_start3A_532 : memref<1x!tpu.dma_semaphore, #tpu.memory_space<semaphore_mem>> -> memref<!tpu.dma_semaphore, #tpu.memory_space<semaphore_mem>>
        tpu.enqueue_indirect_dma source(%dma_start3A_531 : memref<1000000x64xf32, #tpu.memory_space<hbm>>) target(%dma_start3A_525 : memref<128x64xf32, #tpu.memory_space<vmem>>) offsets(%dma_start3A_528 : memref<128xi32, #tpu.memory_space<vmem>>) semaphore(%dma_start3A_533 : memref<!tpu.dma_semaphore, #tpu.memory_space<semaphore_mem>>)
      } else {
      }
      %add3A_377 = arith.constant 5 : i32
      %add3A_378 = arith.addi %add3A_145, %add3A_377 : i32
      %dma_wait3A_379 = arith.constant 5 : i32
      %dma_wait3A_380 = arith.constant 5 : i32
      %dma_wait3A_381 = arith.constant 0 : i32
      %dma_wait3A_382 = arith.constant 0 : i32
      %dma_wait3A_383 = tpu.memref_slice %arg6[%dma_wait3A_379, %dma_wait3A_381, %dma_wait3A_382] : memref<8x128x64xf32, #tpu.memory_space<vmem>> -> memref<1x128x64xf32, #tpu.memory_space<vmem>>
      %dma_wait3A_384 = tpu.memref_squeeze %dma_wait3A_383 : memref<1x128x64xf32, #tpu.memory_space<vmem>> -> memref<128x64xf32, #tpu.memory_space<vmem>>
      %dma_wait3A_385 = arith.constant 0 : i32
      %dma_wait3A_386 = tpu.memref_slice %arg5[%add3A_378, %dma_wait3A_385] : memref<400x128xi32, #tpu.memory_space<vmem>> -> memref<1x128xi32, #tpu.memory_space<vmem>>
      %dma_wait3A_387 = tpu.memref_squeeze %dma_wait3A_386 : memref<1x128xi32, #tpu.memory_space<vmem>> -> memref<128xi32, #tpu.memory_space<vmem>>
      %dma_wait3A_388 = arith.constant 0 : i32
      %dma_wait3A_389 = arith.constant 0 : i32
      %dma_wait3A_390 = tpu.memref_slice %arg2[%dma_wait3A_388, %dma_wait3A_389] : memref<1000000x64xf32, #tpu.memory_space<hbm>> -> memref<1000000x64xf32, #tpu.memory_space<hbm>>
      %dma_wait3A_391 = tpu.memref_slice %arg7[%dma_wait3A_380] : memref<8x!tpu.dma_semaphore, #tpu.memory_space<semaphore_mem>> -> memref<1x!tpu.dma_semaphore, #tpu.memory_space<semaphore_mem>>
      %dma_wait3A_392 = tpu.memref_squeeze %dma_wait3A_391 : memref<1x!tpu.dma_semaphore, #tpu.memory_space<semaphore_mem>> -> memref<!tpu.dma_semaphore, #tpu.memory_space<semaphore_mem>>
      tpu.wait_indirect_dma semaphore(%dma_wait3A_392 : memref<!tpu.dma_semaphore, #tpu.memory_space<semaphore_mem>>) src(%dma_wait3A_390 : memref<1000000x64xf32, #tpu.memory_space<hbm>>) dst(%dma_wait3A_384 : memref<128x64xf32, #tpu.memory_space<vmem>>)
      %mul3A_393 = arith.constant 128 : i32
      %mul3A_394 = arith.muli %add3A_378, %mul3A_393 : i32
      %add3A_395 = arith.addi %mul3A_6, %mul3A_394 : i32
      %dma_start3A_396 = arith.constant 5 : i32
      %dma_start3A_397 = arith.constant 5 : i32
      %dma_start3A_398 = arith.constant 0 : i32
      %dma_start3A_399 = arith.constant 0 : i32
      %dma_start3A_400 = tpu.memref_slice %arg6[%dma_start3A_396, %dma_start3A_398, %dma_start3A_399] : memref<8x128x64xf32, #tpu.memory_space<vmem>> -> memref<1x128x64xf32, #tpu.memory_space<vmem>>
      %dma_start3A_401 = tpu.memref_squeeze %dma_start3A_400 : memref<1x128x64xf32, #tpu.memory_space<vmem>> -> memref<128x64xf32, #tpu.memory_space<vmem>>
      %dma_start3A_402 = arith.constant 0 : i32
      %dma_start3A_403 = tpu.memref_slice %arg4[%add3A_395, %dma_start3A_402] : memref<1638400x64xf32, #tpu.memory_space<hbm>> -> memref<128x64xf32, #tpu.memory_space<hbm>>
      %dma_start3A_404 = tpu.memref_slice %arg8[%dma_start3A_397] : memref<8x!tpu.dma_semaphore, #tpu.memory_space<semaphore_mem>> -> memref<1x!tpu.dma_semaphore, #tpu.memory_space<semaphore_mem>>
      %dma_start3A_405 = tpu.memref_squeeze %dma_start3A_404 : memref<1x!tpu.dma_semaphore, #tpu.memory_space<semaphore_mem>> -> memref<!tpu.dma_semaphore, #tpu.memory_space<semaphore_mem>>
      %dma_start3A_406 = arith.constant 0 : i32
      %dma_start3A_407 = tpu.memref_slice %arg4[%add3A_395, %dma_start3A_406] : memref<1638400x64xf32, #tpu.memory_space<hbm>> -> memref<128x64xf32, #tpu.memory_space<hbm>>
      %dma_start3A_408 = arith.constant 0 : i32
      %dma_start3A_409 = arith.constant 0 : i32
      %dma_start3A_410 = tpu.memref_slice %arg6[%dma_start3A_396, %dma_start3A_408, %dma_start3A_409] : memref<8x128x64xf32, #tpu.memory_space<vmem>> -> memref<1x128x64xf32, #tpu.memory_space<vmem>>
      %dma_start3A_411 = tpu.memref_squeeze %dma_start3A_410 : memref<1x128x64xf32, #tpu.memory_space<vmem>> -> memref<128x64xf32, #tpu.memory_space<vmem>>
      tpu.enqueue_dma source(%dma_start3A_411 : memref<128x64xf32, #tpu.memory_space<vmem>>) target(%dma_start3A_407 : memref<128x64xf32, #tpu.memory_space<hbm>>) target_semaphore(%dma_start3A_405 : memref<!tpu.dma_semaphore, #tpu.memory_space<semaphore_mem>>)
      %ge3A_412 = arith.constant 4 : i32
      %ge3A_413 = arith.cmpi sge, %add3A_378, %ge3A_412 : i32
      %convert_element_type3A_414 = arith.extui %ge3A_413 : i1 to i32
      %cond3A_415 = arith.constant 0 : i32
      %cond3A_416 = arith.cmpi ne, %convert_element_type3A_414, %cond3A_415 : i32
      scf.if %cond3A_416 {
        %add3A_518 = arith.constant 4 : i32
        %add3A_519 = arith.addi %add3A_378, %add3A_518 : i32
        %sub3A = arith.constant 8 : i32
        %sub3A_520 = arith.subi %add3A_519, %sub3A : i32
        %mul3A_521 = arith.constant 128 : i32
        %mul3A_522 = arith.muli %sub3A_520, %mul3A_521 : i32
        %add3A_523 = arith.addi %mul3A_6, %mul3A_522 : i32
        %dma_wait3A_524 = arith.constant 1 : i32
        %dma_wait3A_525 = arith.constant 1 : i32
        %dma_wait3A_526 = arith.constant 0 : i32
        %dma_wait3A_527 = arith.constant 0 : i32
        %dma_wait3A_528 = tpu.memref_slice %arg6[%dma_wait3A_524, %dma_wait3A_526, %dma_wait3A_527] : memref<8x128x64xf32, #tpu.memory_space<vmem>> -> memref<1x128x64xf32, #tpu.memory_space<vmem>>
        %dma_wait3A_529 = tpu.memref_squeeze %dma_wait3A_528 : memref<1x128x64xf32, #tpu.memory_space<vmem>> -> memref<128x64xf32, #tpu.memory_space<vmem>>
        %dma_wait3A_530 = arith.constant 0 : i32
        %dma_wait3A_531 = tpu.memref_slice %arg4[%add3A_523, %dma_wait3A_530] : memref<1638400x64xf32, #tpu.memory_space<hbm>> -> memref<128x64xf32, #tpu.memory_space<hbm>>
        %dma_wait3A_532 = tpu.memref_slice %arg8[%dma_wait3A_525] : memref<8x!tpu.dma_semaphore, #tpu.memory_space<semaphore_mem>> -> memref<1x!tpu.dma_semaphore, #tpu.memory_space<semaphore_mem>>
        %dma_wait3A_533 = tpu.memref_squeeze %dma_wait3A_532 : memref<1x!tpu.dma_semaphore, #tpu.memory_space<semaphore_mem>> -> memref<!tpu.dma_semaphore, #tpu.memory_space<semaphore_mem>>
        %dma_wait3A_534 = arith.constant 0 : i32
        %dma_wait3A_535 = tpu.memref_slice %arg4[%add3A_523, %dma_wait3A_534] : memref<1638400x64xf32, #tpu.memory_space<hbm>> -> memref<128x64xf32, #tpu.memory_space<hbm>>
        %dma_wait3A_536 = arith.constant 0 : i32
        %dma_wait3A_537 = arith.constant 0 : i32
        %dma_wait3A_538 = tpu.memref_slice %arg6[%dma_wait3A_524, %dma_wait3A_536, %dma_wait3A_537] : memref<8x128x64xf32, #tpu.memory_space<vmem>> -> memref<1x128x64xf32, #tpu.memory_space<vmem>>
        %dma_wait3A_539 = tpu.memref_squeeze %dma_wait3A_538 : memref<1x128x64xf32, #tpu.memory_space<vmem>> -> memref<128x64xf32, #tpu.memory_space<vmem>>
        tpu.wait_dma2 semaphore(%dma_wait3A_533 : memref<!tpu.dma_semaphore, #tpu.memory_space<semaphore_mem>>) src(%dma_wait3A_539 : memref<128x64xf32, #tpu.memory_space<vmem>>) dst(%dma_wait3A_535 : memref<128x64xf32, #tpu.memory_space<hbm>>)
      } else {
      }
      %add3A_417 = arith.constant 4 : i32
      %add3A_418 = arith.addi %add3A_378, %add3A_417 : i32
      %lt3A_419 = arith.constant 400 : i32
      %lt3A_420 = arith.cmpi slt, %add3A_418, %lt3A_419 : i32
      %convert_element_type3A_421 = arith.extui %lt3A_420 : i1 to i32
      %cond3A_422 = arith.constant 0 : i32
      %cond3A_423 = arith.cmpi ne, %convert_element_type3A_421, %cond3A_422 : i32
      scf.if %cond3A_423 {
        %add3A_518 = arith.constant 4 : i32
        %add3A_519 = arith.addi %add3A_378, %add3A_518 : i32
        %dma_start3A_520 = arith.constant 1 : i32
        %dma_start3A_521 = arith.constant 1 : i32
        %dma_start3A_522 = arith.constant 0 : i32
        %dma_start3A_523 = arith.constant 0 : i32
        %dma_start3A_524 = tpu.memref_slice %arg6[%dma_start3A_520, %dma_start3A_522, %dma_start3A_523] : memref<8x128x64xf32, #tpu.memory_space<vmem>> -> memref<1x128x64xf32, #tpu.memory_space<vmem>>
        %dma_start3A_525 = tpu.memref_squeeze %dma_start3A_524 : memref<1x128x64xf32, #tpu.memory_space<vmem>> -> memref<128x64xf32, #tpu.memory_space<vmem>>
        %dma_start3A_526 = arith.constant 0 : i32
        %dma_start3A_527 = tpu.memref_slice %arg5[%add3A_519, %dma_start3A_526] : memref<400x128xi32, #tpu.memory_space<vmem>> -> memref<1x128xi32, #tpu.memory_space<vmem>>
        %dma_start3A_528 = tpu.memref_squeeze %dma_start3A_527 : memref<1x128xi32, #tpu.memory_space<vmem>> -> memref<128xi32, #tpu.memory_space<vmem>>
        %dma_start3A_529 = arith.constant 0 : i32
        %dma_start3A_530 = arith.constant 0 : i32
        %dma_start3A_531 = tpu.memref_slice %arg2[%dma_start3A_529, %dma_start3A_530] : memref<1000000x64xf32, #tpu.memory_space<hbm>> -> memref<1000000x64xf32, #tpu.memory_space<hbm>>
        %dma_start3A_532 = tpu.memref_slice %arg7[%dma_start3A_521] : memref<8x!tpu.dma_semaphore, #tpu.memory_space<semaphore_mem>> -> memref<1x!tpu.dma_semaphore, #tpu.memory_space<semaphore_mem>>
        %dma_start3A_533 = tpu.memref_squeeze %dma_start3A_532 : memref<1x!tpu.dma_semaphore, #tpu.memory_space<semaphore_mem>> -> memref<!tpu.dma_semaphore, #tpu.memory_space<semaphore_mem>>
        tpu.enqueue_indirect_dma source(%dma_start3A_531 : memref<1000000x64xf32, #tpu.memory_space<hbm>>) target(%dma_start3A_525 : memref<128x64xf32, #tpu.memory_space<vmem>>) offsets(%dma_start3A_528 : memref<128xi32, #tpu.memory_space<vmem>>) semaphore(%dma_start3A_533 : memref<!tpu.dma_semaphore, #tpu.memory_space<semaphore_mem>>)
      } else {
      }
      %add3A_424 = arith.constant 6 : i32
      %add3A_425 = arith.addi %add3A_145, %add3A_424 : i32
      %dma_wait3A_426 = arith.constant 6 : i32
      %dma_wait3A_427 = arith.constant 6 : i32
      %dma_wait3A_428 = arith.constant 0 : i32
      %dma_wait3A_429 = arith.constant 0 : i32
      %dma_wait3A_430 = tpu.memref_slice %arg6[%dma_wait3A_426, %dma_wait3A_428, %dma_wait3A_429] : memref<8x128x64xf32, #tpu.memory_space<vmem>> -> memref<1x128x64xf32, #tpu.memory_space<vmem>>
      %dma_wait3A_431 = tpu.memref_squeeze %dma_wait3A_430 : memref<1x128x64xf32, #tpu.memory_space<vmem>> -> memref<128x64xf32, #tpu.memory_space<vmem>>
      %dma_wait3A_432 = arith.constant 0 : i32
      %dma_wait3A_433 = tpu.memref_slice %arg5[%add3A_425, %dma_wait3A_432] : memref<400x128xi32, #tpu.memory_space<vmem>> -> memref<1x128xi32, #tpu.memory_space<vmem>>
      %dma_wait3A_434 = tpu.memref_squeeze %dma_wait3A_433 : memref<1x128xi32, #tpu.memory_space<vmem>> -> memref<128xi32, #tpu.memory_space<vmem>>
      %dma_wait3A_435 = arith.constant 0 : i32
      %dma_wait3A_436 = arith.constant 0 : i32
      %dma_wait3A_437 = tpu.memref_slice %arg2[%dma_wait3A_435, %dma_wait3A_436] : memref<1000000x64xf32, #tpu.memory_space<hbm>> -> memref<1000000x64xf32, #tpu.memory_space<hbm>>
      %dma_wait3A_438 = tpu.memref_slice %arg7[%dma_wait3A_427] : memref<8x!tpu.dma_semaphore, #tpu.memory_space<semaphore_mem>> -> memref<1x!tpu.dma_semaphore, #tpu.memory_space<semaphore_mem>>
      %dma_wait3A_439 = tpu.memref_squeeze %dma_wait3A_438 : memref<1x!tpu.dma_semaphore, #tpu.memory_space<semaphore_mem>> -> memref<!tpu.dma_semaphore, #tpu.memory_space<semaphore_mem>>
      tpu.wait_indirect_dma semaphore(%dma_wait3A_439 : memref<!tpu.dma_semaphore, #tpu.memory_space<semaphore_mem>>) src(%dma_wait3A_437 : memref<1000000x64xf32, #tpu.memory_space<hbm>>) dst(%dma_wait3A_431 : memref<128x64xf32, #tpu.memory_space<vmem>>)
      %mul3A_440 = arith.constant 128 : i32
      %mul3A_441 = arith.muli %add3A_425, %mul3A_440 : i32
      %add3A_442 = arith.addi %mul3A_6, %mul3A_441 : i32
      %dma_start3A_443 = arith.constant 6 : i32
      %dma_start3A_444 = arith.constant 6 : i32
      %dma_start3A_445 = arith.constant 0 : i32
      %dma_start3A_446 = arith.constant 0 : i32
      %dma_start3A_447 = tpu.memref_slice %arg6[%dma_start3A_443, %dma_start3A_445, %dma_start3A_446] : memref<8x128x64xf32, #tpu.memory_space<vmem>> -> memref<1x128x64xf32, #tpu.memory_space<vmem>>
      %dma_start3A_448 = tpu.memref_squeeze %dma_start3A_447 : memref<1x128x64xf32, #tpu.memory_space<vmem>> -> memref<128x64xf32, #tpu.memory_space<vmem>>
      %dma_start3A_449 = arith.constant 0 : i32
      %dma_start3A_450 = tpu.memref_slice %arg4[%add3A_442, %dma_start3A_449] : memref<1638400x64xf32, #tpu.memory_space<hbm>> -> memref<128x64xf32, #tpu.memory_space<hbm>>
      %dma_start3A_451 = tpu.memref_slice %arg8[%dma_start3A_444] : memref<8x!tpu.dma_semaphore, #tpu.memory_space<semaphore_mem>> -> memref<1x!tpu.dma_semaphore, #tpu.memory_space<semaphore_mem>>
      %dma_start3A_452 = tpu.memref_squeeze %dma_start3A_451 : memref<1x!tpu.dma_semaphore, #tpu.memory_space<semaphore_mem>> -> memref<!tpu.dma_semaphore, #tpu.memory_space<semaphore_mem>>
      %dma_start3A_453 = arith.constant 0 : i32
      %dma_start3A_454 = tpu.memref_slice %arg4[%add3A_442, %dma_start3A_453] : memref<1638400x64xf32, #tpu.memory_space<hbm>> -> memref<128x64xf32, #tpu.memory_space<hbm>>
      %dma_start3A_455 = arith.constant 0 : i32
      %dma_start3A_456 = arith.constant 0 : i32
      %dma_start3A_457 = tpu.memref_slice %arg6[%dma_start3A_443, %dma_start3A_455, %dma_start3A_456] : memref<8x128x64xf32, #tpu.memory_space<vmem>> -> memref<1x128x64xf32, #tpu.memory_space<vmem>>
      %dma_start3A_458 = tpu.memref_squeeze %dma_start3A_457 : memref<1x128x64xf32, #tpu.memory_space<vmem>> -> memref<128x64xf32, #tpu.memory_space<vmem>>
      tpu.enqueue_dma source(%dma_start3A_458 : memref<128x64xf32, #tpu.memory_space<vmem>>) target(%dma_start3A_454 : memref<128x64xf32, #tpu.memory_space<hbm>>) target_semaphore(%dma_start3A_452 : memref<!tpu.dma_semaphore, #tpu.memory_space<semaphore_mem>>)
      %ge3A_459 = arith.constant 4 : i32
      %ge3A_460 = arith.cmpi sge, %add3A_425, %ge3A_459 : i32
      %convert_element_type3A_461 = arith.extui %ge3A_460 : i1 to i32
      %cond3A_462 = arith.constant 0 : i32
      %cond3A_463 = arith.cmpi ne, %convert_element_type3A_461, %cond3A_462 : i32
      scf.if %cond3A_463 {
        %add3A_518 = arith.constant 4 : i32
        %add3A_519 = arith.addi %add3A_425, %add3A_518 : i32
        %sub3A = arith.constant 8 : i32
        %sub3A_520 = arith.subi %add3A_519, %sub3A : i32
        %mul3A_521 = arith.constant 128 : i32
        %mul3A_522 = arith.muli %sub3A_520, %mul3A_521 : i32
        %add3A_523 = arith.addi %mul3A_6, %mul3A_522 : i32
        %dma_wait3A_524 = arith.constant 2 : i32
        %dma_wait3A_525 = arith.constant 2 : i32
        %dma_wait3A_526 = arith.constant 0 : i32
        %dma_wait3A_527 = arith.constant 0 : i32
        %dma_wait3A_528 = tpu.memref_slice %arg6[%dma_wait3A_524, %dma_wait3A_526, %dma_wait3A_527] : memref<8x128x64xf32, #tpu.memory_space<vmem>> -> memref<1x128x64xf32, #tpu.memory_space<vmem>>
        %dma_wait3A_529 = tpu.memref_squeeze %dma_wait3A_528 : memref<1x128x64xf32, #tpu.memory_space<vmem>> -> memref<128x64xf32, #tpu.memory_space<vmem>>
        %dma_wait3A_530 = arith.constant 0 : i32
        %dma_wait3A_531 = tpu.memref_slice %arg4[%add3A_523, %dma_wait3A_530] : memref<1638400x64xf32, #tpu.memory_space<hbm>> -> memref<128x64xf32, #tpu.memory_space<hbm>>
        %dma_wait3A_532 = tpu.memref_slice %arg8[%dma_wait3A_525] : memref<8x!tpu.dma_semaphore, #tpu.memory_space<semaphore_mem>> -> memref<1x!tpu.dma_semaphore, #tpu.memory_space<semaphore_mem>>
        %dma_wait3A_533 = tpu.memref_squeeze %dma_wait3A_532 : memref<1x!tpu.dma_semaphore, #tpu.memory_space<semaphore_mem>> -> memref<!tpu.dma_semaphore, #tpu.memory_space<semaphore_mem>>
        %dma_wait3A_534 = arith.constant 0 : i32
        %dma_wait3A_535 = tpu.memref_slice %arg4[%add3A_523, %dma_wait3A_534] : memref<1638400x64xf32, #tpu.memory_space<hbm>> -> memref<128x64xf32, #tpu.memory_space<hbm>>
        %dma_wait3A_536 = arith.constant 0 : i32
        %dma_wait3A_537 = arith.constant 0 : i32
        %dma_wait3A_538 = tpu.memref_slice %arg6[%dma_wait3A_524, %dma_wait3A_536, %dma_wait3A_537] : memref<8x128x64xf32, #tpu.memory_space<vmem>> -> memref<1x128x64xf32, #tpu.memory_space<vmem>>
        %dma_wait3A_539 = tpu.memref_squeeze %dma_wait3A_538 : memref<1x128x64xf32, #tpu.memory_space<vmem>> -> memref<128x64xf32, #tpu.memory_space<vmem>>
        tpu.wait_dma2 semaphore(%dma_wait3A_533 : memref<!tpu.dma_semaphore, #tpu.memory_space<semaphore_mem>>) src(%dma_wait3A_539 : memref<128x64xf32, #tpu.memory_space<vmem>>) dst(%dma_wait3A_535 : memref<128x64xf32, #tpu.memory_space<hbm>>)
      } else {
      }
      %add3A_464 = arith.constant 4 : i32
      %add3A_465 = arith.addi %add3A_425, %add3A_464 : i32
      %lt3A_466 = arith.constant 400 : i32
      %lt3A_467 = arith.cmpi slt, %add3A_465, %lt3A_466 : i32
      %convert_element_type3A_468 = arith.extui %lt3A_467 : i1 to i32
      %cond3A_469 = arith.constant 0 : i32
      %cond3A_470 = arith.cmpi ne, %convert_element_type3A_468, %cond3A_469 : i32
      scf.if %cond3A_470 {
        %add3A_518 = arith.constant 4 : i32
        %add3A_519 = arith.addi %add3A_425, %add3A_518 : i32
        %dma_start3A_520 = arith.constant 2 : i32
        %dma_start3A_521 = arith.constant 2 : i32
        %dma_start3A_522 = arith.constant 0 : i32
        %dma_start3A_523 = arith.constant 0 : i32
        %dma_start3A_524 = tpu.memref_slice %arg6[%dma_start3A_520, %dma_start3A_522, %dma_start3A_523] : memref<8x128x64xf32, #tpu.memory_space<vmem>> -> memref<1x128x64xf32, #tpu.memory_space<vmem>>
        %dma_start3A_525 = tpu.memref_squeeze %dma_start3A_524 : memref<1x128x64xf32, #tpu.memory_space<vmem>> -> memref<128x64xf32, #tpu.memory_space<vmem>>
        %dma_start3A_526 = arith.constant 0 : i32
        %dma_start3A_527 = tpu.memref_slice %arg5[%add3A_519, %dma_start3A_526] : memref<400x128xi32, #tpu.memory_space<vmem>> -> memref<1x128xi32, #tpu.memory_space<vmem>>
        %dma_start3A_528 = tpu.memref_squeeze %dma_start3A_527 : memref<1x128xi32, #tpu.memory_space<vmem>> -> memref<128xi32, #tpu.memory_space<vmem>>
        %dma_start3A_529 = arith.constant 0 : i32
        %dma_start3A_530 = arith.constant 0 : i32
        %dma_start3A_531 = tpu.memref_slice %arg2[%dma_start3A_529, %dma_start3A_530] : memref<1000000x64xf32, #tpu.memory_space<hbm>> -> memref<1000000x64xf32, #tpu.memory_space<hbm>>
        %dma_start3A_532 = tpu.memref_slice %arg7[%dma_start3A_521] : memref<8x!tpu.dma_semaphore, #tpu.memory_space<semaphore_mem>> -> memref<1x!tpu.dma_semaphore, #tpu.memory_space<semaphore_mem>>
        %dma_start3A_533 = tpu.memref_squeeze %dma_start3A_532 : memref<1x!tpu.dma_semaphore, #tpu.memory_space<semaphore_mem>> -> memref<!tpu.dma_semaphore, #tpu.memory_space<semaphore_mem>>
        tpu.enqueue_indirect_dma source(%dma_start3A_531 : memref<1000000x64xf32, #tpu.memory_space<hbm>>) target(%dma_start3A_525 : memref<128x64xf32, #tpu.memory_space<vmem>>) offsets(%dma_start3A_528 : memref<128xi32, #tpu.memory_space<vmem>>) semaphore(%dma_start3A_533 : memref<!tpu.dma_semaphore, #tpu.memory_space<semaphore_mem>>)
      } else {
      }
      %add3A_471 = arith.constant 7 : i32
      %add3A_472 = arith.addi %add3A_145, %add3A_471 : i32
      %dma_wait3A_473 = arith.constant 7 : i32
      %dma_wait3A_474 = arith.constant 7 : i32
      %dma_wait3A_475 = arith.constant 0 : i32
      %dma_wait3A_476 = arith.constant 0 : i32
      %dma_wait3A_477 = tpu.memref_slice %arg6[%dma_wait3A_473, %dma_wait3A_475, %dma_wait3A_476] : memref<8x128x64xf32, #tpu.memory_space<vmem>> -> memref<1x128x64xf32, #tpu.memory_space<vmem>>
      %dma_wait3A_478 = tpu.memref_squeeze %dma_wait3A_477 : memref<1x128x64xf32, #tpu.memory_space<vmem>> -> memref<128x64xf32, #tpu.memory_space<vmem>>
      %dma_wait3A_479 = arith.constant 0 : i32
      %dma_wait3A_480 = tpu.memref_slice %arg5[%add3A_472, %dma_wait3A_479] : memref<400x128xi32, #tpu.memory_space<vmem>> -> memref<1x128xi32, #tpu.memory_space<vmem>>
      %dma_wait3A_481 = tpu.memref_squeeze %dma_wait3A_480 : memref<1x128xi32, #tpu.memory_space<vmem>> -> memref<128xi32, #tpu.memory_space<vmem>>
      %dma_wait3A_482 = arith.constant 0 : i32
      %dma_wait3A_483 = arith.constant 0 : i32
      %dma_wait3A_484 = tpu.memref_slice %arg2[%dma_wait3A_482, %dma_wait3A_483] : memref<1000000x64xf32, #tpu.memory_space<hbm>> -> memref<1000000x64xf32, #tpu.memory_space<hbm>>
      %dma_wait3A_485 = tpu.memref_slice %arg7[%dma_wait3A_474] : memref<8x!tpu.dma_semaphore, #tpu.memory_space<semaphore_mem>> -> memref<1x!tpu.dma_semaphore, #tpu.memory_space<semaphore_mem>>
      %dma_wait3A_486 = tpu.memref_squeeze %dma_wait3A_485 : memref<1x!tpu.dma_semaphore, #tpu.memory_space<semaphore_mem>> -> memref<!tpu.dma_semaphore, #tpu.memory_space<semaphore_mem>>
      tpu.wait_indirect_dma semaphore(%dma_wait3A_486 : memref<!tpu.dma_semaphore, #tpu.memory_space<semaphore_mem>>) src(%dma_wait3A_484 : memref<1000000x64xf32, #tpu.memory_space<hbm>>) dst(%dma_wait3A_478 : memref<128x64xf32, #tpu.memory_space<vmem>>)
      %mul3A_487 = arith.constant 128 : i32
      %mul3A_488 = arith.muli %add3A_472, %mul3A_487 : i32
      %add3A_489 = arith.addi %mul3A_6, %mul3A_488 : i32
      %dma_start3A_490 = arith.constant 7 : i32
      %dma_start3A_491 = arith.constant 7 : i32
      %dma_start3A_492 = arith.constant 0 : i32
      %dma_start3A_493 = arith.constant 0 : i32
      %dma_start3A_494 = tpu.memref_slice %arg6[%dma_start3A_490, %dma_start3A_492, %dma_start3A_493] : memref<8x128x64xf32, #tpu.memory_space<vmem>> -> memref<1x128x64xf32, #tpu.memory_space<vmem>>
      %dma_start3A_495 = tpu.memref_squeeze %dma_start3A_494 : memref<1x128x64xf32, #tpu.memory_space<vmem>> -> memref<128x64xf32, #tpu.memory_space<vmem>>
      %dma_start3A_496 = arith.constant 0 : i32
      %dma_start3A_497 = tpu.memref_slice %arg4[%add3A_489, %dma_start3A_496] : memref<1638400x64xf32, #tpu.memory_space<hbm>> -> memref<128x64xf32, #tpu.memory_space<hbm>>
      %dma_start3A_498 = tpu.memref_slice %arg8[%dma_start3A_491] : memref<8x!tpu.dma_semaphore, #tpu.memory_space<semaphore_mem>> -> memref<1x!tpu.dma_semaphore, #tpu.memory_space<semaphore_mem>>
      %dma_start3A_499 = tpu.memref_squeeze %dma_start3A_498 : memref<1x!tpu.dma_semaphore, #tpu.memory_space<semaphore_mem>> -> memref<!tpu.dma_semaphore, #tpu.memory_space<semaphore_mem>>
      %dma_start3A_500 = arith.constant 0 : i32
      %dma_start3A_501 = tpu.memref_slice %arg4[%add3A_489, %dma_start3A_500] : memref<1638400x64xf32, #tpu.memory_space<hbm>> -> memref<128x64xf32, #tpu.memory_space<hbm>>
      %dma_start3A_502 = arith.constant 0 : i32
      %dma_start3A_503 = arith.constant 0 : i32
      %dma_start3A_504 = tpu.memref_slice %arg6[%dma_start3A_490, %dma_start3A_502, %dma_start3A_503] : memref<8x128x64xf32, #tpu.memory_space<vmem>> -> memref<1x128x64xf32, #tpu.memory_space<vmem>>
      %dma_start3A_505 = tpu.memref_squeeze %dma_start3A_504 : memref<1x128x64xf32, #tpu.memory_space<vmem>> -> memref<128x64xf32, #tpu.memory_space<vmem>>
      tpu.enqueue_dma source(%dma_start3A_505 : memref<128x64xf32, #tpu.memory_space<vmem>>) target(%dma_start3A_501 : memref<128x64xf32, #tpu.memory_space<hbm>>) target_semaphore(%dma_start3A_499 : memref<!tpu.dma_semaphore, #tpu.memory_space<semaphore_mem>>)
      %ge3A_506 = arith.constant 4 : i32
      %ge3A_507 = arith.cmpi sge, %add3A_472, %ge3A_506 : i32
      %convert_element_type3A_508 = arith.extui %ge3A_507 : i1 to i32
      %cond3A_509 = arith.constant 0 : i32
      %cond3A_510 = arith.cmpi ne, %convert_element_type3A_508, %cond3A_509 : i32
      scf.if %cond3A_510 {
        %add3A_518 = arith.constant 4 : i32
        %add3A_519 = arith.addi %add3A_472, %add3A_518 : i32
        %sub3A = arith.constant 8 : i32
        %sub3A_520 = arith.subi %add3A_519, %sub3A : i32
        %mul3A_521 = arith.constant 128 : i32
        %mul3A_522 = arith.muli %sub3A_520, %mul3A_521 : i32
        %add3A_523 = arith.addi %mul3A_6, %mul3A_522 : i32
        %dma_wait3A_524 = arith.constant 3 : i32
        %dma_wait3A_525 = arith.constant 3 : i32
        %dma_wait3A_526 = arith.constant 0 : i32
        %dma_wait3A_527 = arith.constant 0 : i32
        %dma_wait3A_528 = tpu.memref_slice %arg6[%dma_wait3A_524, %dma_wait3A_526, %dma_wait3A_527] : memref<8x128x64xf32, #tpu.memory_space<vmem>> -> memref<1x128x64xf32, #tpu.memory_space<vmem>>
        %dma_wait3A_529 = tpu.memref_squeeze %dma_wait3A_528 : memref<1x128x64xf32, #tpu.memory_space<vmem>> -> memref<128x64xf32, #tpu.memory_space<vmem>>
        %dma_wait3A_530 = arith.constant 0 : i32
        %dma_wait3A_531 = tpu.memref_slice %arg4[%add3A_523, %dma_wait3A_530] : memref<1638400x64xf32, #tpu.memory_space<hbm>> -> memref<128x64xf32, #tpu.memory_space<hbm>>
        %dma_wait3A_532 = tpu.memref_slice %arg8[%dma_wait3A_525] : memref<8x!tpu.dma_semaphore, #tpu.memory_space<semaphore_mem>> -> memref<1x!tpu.dma_semaphore, #tpu.memory_space<semaphore_mem>>
        %dma_wait3A_533 = tpu.memref_squeeze %dma_wait3A_532 : memref<1x!tpu.dma_semaphore, #tpu.memory_space<semaphore_mem>> -> memref<!tpu.dma_semaphore, #tpu.memory_space<semaphore_mem>>
        %dma_wait3A_534 = arith.constant 0 : i32
        %dma_wait3A_535 = tpu.memref_slice %arg4[%add3A_523, %dma_wait3A_534] : memref<1638400x64xf32, #tpu.memory_space<hbm>> -> memref<128x64xf32, #tpu.memory_space<hbm>>
        %dma_wait3A_536 = arith.constant 0 : i32
        %dma_wait3A_537 = arith.constant 0 : i32
        %dma_wait3A_538 = tpu.memref_slice %arg6[%dma_wait3A_524, %dma_wait3A_536, %dma_wait3A_537] : memref<8x128x64xf32, #tpu.memory_space<vmem>> -> memref<1x128x64xf32, #tpu.memory_space<vmem>>
        %dma_wait3A_539 = tpu.memref_squeeze %dma_wait3A_538 : memref<1x128x64xf32, #tpu.memory_space<vmem>> -> memref<128x64xf32, #tpu.memory_space<vmem>>
        tpu.wait_dma2 semaphore(%dma_wait3A_533 : memref<!tpu.dma_semaphore, #tpu.memory_space<semaphore_mem>>) src(%dma_wait3A_539 : memref<128x64xf32, #tpu.memory_space<vmem>>) dst(%dma_wait3A_535 : memref<128x64xf32, #tpu.memory_space<hbm>>)
      } else {
      }
      %add3A_511 = arith.constant 4 : i32
      %add3A_512 = arith.addi %add3A_472, %add3A_511 : i32
      %lt3A_513 = arith.constant 400 : i32
      %lt3A_514 = arith.cmpi slt, %add3A_512, %lt3A_513 : i32
      %convert_element_type3A_515 = arith.extui %lt3A_514 : i1 to i32
      %cond3A_516 = arith.constant 0 : i32
      %cond3A_517 = arith.cmpi ne, %convert_element_type3A_515, %cond3A_516 : i32
      scf.if %cond3A_517 {
        %add3A_518 = arith.constant 4 : i32
        %add3A_519 = arith.addi %add3A_472, %add3A_518 : i32
        %dma_start3A_520 = arith.constant 3 : i32
        %dma_start3A_521 = arith.constant 3 : i32
        %dma_start3A_522 = arith.constant 0 : i32
        %dma_start3A_523 = arith.constant 0 : i32
        %dma_start3A_524 = tpu.memref_slice %arg6[%dma_start3A_520, %dma_start3A_522, %dma_start3A_523] : memref<8x128x64xf32, #tpu.memory_space<vmem>> -> memref<1x128x64xf32, #tpu.memory_space<vmem>>
        %dma_start3A_525 = tpu.memref_squeeze %dma_start3A_524 : memref<1x128x64xf32, #tpu.memory_space<vmem>> -> memref<128x64xf32, #tpu.memory_space<vmem>>
        %dma_start3A_526 = arith.constant 0 : i32
        %dma_start3A_527 = tpu.memref_slice %arg5[%add3A_519, %dma_start3A_526] : memref<400x128xi32, #tpu.memory_space<vmem>> -> memref<1x128xi32, #tpu.memory_space<vmem>>
        %dma_start3A_528 = tpu.memref_squeeze %dma_start3A_527 : memref<1x128xi32, #tpu.memory_space<vmem>> -> memref<128xi32, #tpu.memory_space<vmem>>
        %dma_start3A_529 = arith.constant 0 : i32
        %dma_start3A_530 = arith.constant 0 : i32
        %dma_start3A_531 = tpu.memref_slice %arg2[%dma_start3A_529, %dma_start3A_530] : memref<1000000x64xf32, #tpu.memory_space<hbm>> -> memref<1000000x64xf32, #tpu.memory_space<hbm>>
        %dma_start3A_532 = tpu.memref_slice %arg7[%dma_start3A_521] : memref<8x!tpu.dma_semaphore, #tpu.memory_space<semaphore_mem>> -> memref<1x!tpu.dma_semaphore, #tpu.memory_space<semaphore_mem>>
        %dma_start3A_533 = tpu.memref_squeeze %dma_start3A_532 : memref<1x!tpu.dma_semaphore, #tpu.memory_space<semaphore_mem>> -> memref<!tpu.dma_semaphore, #tpu.memory_space<semaphore_mem>>
        tpu.enqueue_indirect_dma source(%dma_start3A_531 : memref<1000000x64xf32, #tpu.memory_space<hbm>>) target(%dma_start3A_525 : memref<128x64xf32, #tpu.memory_space<vmem>>) offsets(%dma_start3A_528 : memref<128xi32, #tpu.memory_space<vmem>>) semaphore(%dma_start3A_533 : memref<!tpu.dma_semaphore, #tpu.memory_space<semaphore_mem>>)
      } else {
      }
    }
    %scan3A_69 = arith.constant 50 : i32
    %add3A_70 = arith.constant 50688 : i32
    %add3A_71 = arith.addi %mul3A_6, %add3A_70 : i32
    %dma_wait3A = arith.constant 4 : i32
    %dma_wait3A_72 = arith.constant 4 : i32
    %dma_wait3A_73 = arith.constant 0 : i32
    %dma_wait3A_74 = arith.constant 0 : i32
    %dma_wait3A_75 = tpu.memref_slice %arg6[%dma_wait3A, %dma_wait3A_73, %dma_wait3A_74] : memref<8x128x64xf32, #tpu.memory_space<vmem>> -> memref<1x128x64xf32, #tpu.memory_space<vmem>>
    %dma_wait3A_76 = tpu.memref_squeeze %dma_wait3A_75 : memref<1x128x64xf32, #tpu.memory_space<vmem>> -> memref<128x64xf32, #tpu.memory_space<vmem>>
    %dma_wait3A_77 = arith.constant 0 : i32
    %dma_wait3A_78 = tpu.memref_slice %arg4[%add3A_71, %dma_wait3A_77] : memref<1638400x64xf32, #tpu.memory_space<hbm>> -> memref<128x64xf32, #tpu.memory_space<hbm>>
    %dma_wait3A_79 = tpu.memref_slice %arg8[%dma_wait3A_72] : memref<8x!tpu.dma_semaphore, #tpu.memory_space<semaphore_mem>> -> memref<1x!tpu.dma_semaphore, #tpu.memory_space<semaphore_mem>>
    %dma_wait3A_80 = tpu.memref_squeeze %dma_wait3A_79 : memref<1x!tpu.dma_semaphore, #tpu.memory_space<semaphore_mem>> -> memref<!tpu.dma_semaphore, #tpu.memory_space<semaphore_mem>>
    %dma_wait3A_81 = arith.constant 0 : i32
    %dma_wait3A_82 = tpu.memref_slice %arg4[%add3A_71, %dma_wait3A_81] : memref<1638400x64xf32, #tpu.memory_space<hbm>> -> memref<128x64xf32, #tpu.memory_space<hbm>>
    %dma_wait3A_83 = arith.constant 0 : i32
    %dma_wait3A_84 = arith.constant 0 : i32
    %dma_wait3A_85 = tpu.memref_slice %arg6[%dma_wait3A, %dma_wait3A_83, %dma_wait3A_84] : memref<8x128x64xf32, #tpu.memory_space<vmem>> -> memref<1x128x64xf32, #tpu.memory_space<vmem>>
    %dma_wait3A_86 = tpu.memref_squeeze %dma_wait3A_85 : memref<1x128x64xf32, #tpu.memory_space<vmem>> -> memref<128x64xf32, #tpu.memory_space<vmem>>
    tpu.wait_dma2 semaphore(%dma_wait3A_80 : memref<!tpu.dma_semaphore, #tpu.memory_space<semaphore_mem>>) src(%dma_wait3A_86 : memref<128x64xf32, #tpu.memory_space<vmem>>) dst(%dma_wait3A_82 : memref<128x64xf32, #tpu.memory_space<hbm>>)
    %add3A_87 = arith.constant 50816 : i32
    %add3A_88 = arith.addi %mul3A_6, %add3A_87 : i32
    %dma_wait3A_89 = arith.constant 5 : i32
    %dma_wait3A_90 = arith.constant 5 : i32
    %dma_wait3A_91 = arith.constant 0 : i32
    %dma_wait3A_92 = arith.constant 0 : i32
    %dma_wait3A_93 = tpu.memref_slice %arg6[%dma_wait3A_89, %dma_wait3A_91, %dma_wait3A_92] : memref<8x128x64xf32, #tpu.memory_space<vmem>> -> memref<1x128x64xf32, #tpu.memory_space<vmem>>
    %dma_wait3A_94 = tpu.memref_squeeze %dma_wait3A_93 : memref<1x128x64xf32, #tpu.memory_space<vmem>> -> memref<128x64xf32, #tpu.memory_space<vmem>>
    %dma_wait3A_95 = arith.constant 0 : i32
    %dma_wait3A_96 = tpu.memref_slice %arg4[%add3A_88, %dma_wait3A_95] : memref<1638400x64xf32, #tpu.memory_space<hbm>> -> memref<128x64xf32, #tpu.memory_space<hbm>>
    %dma_wait3A_97 = tpu.memref_slice %arg8[%dma_wait3A_90] : memref<8x!tpu.dma_semaphore, #tpu.memory_space<semaphore_mem>> -> memref<1x!tpu.dma_semaphore, #tpu.memory_space<semaphore_mem>>
    %dma_wait3A_98 = tpu.memref_squeeze %dma_wait3A_97 : memref<1x!tpu.dma_semaphore, #tpu.memory_space<semaphore_mem>> -> memref<!tpu.dma_semaphore, #tpu.memory_space<semaphore_mem>>
    %dma_wait3A_99 = arith.constant 0 : i32
    %dma_wait3A_100 = tpu.memref_slice %arg4[%add3A_88, %dma_wait3A_99] : memref<1638400x64xf32, #tpu.memory_space<hbm>> -> memref<128x64xf32, #tpu.memory_space<hbm>>
    %dma_wait3A_101 = arith.constant 0 : i32
    %dma_wait3A_102 = arith.constant 0 : i32
    %dma_wait3A_103 = tpu.memref_slice %arg6[%dma_wait3A_89, %dma_wait3A_101, %dma_wait3A_102] : memref<8x128x64xf32, #tpu.memory_space<vmem>> -> memref<1x128x64xf32, #tpu.memory_space<vmem>>
    %dma_wait3A_104 = tpu.memref_squeeze %dma_wait3A_103 : memref<1x128x64xf32, #tpu.memory_space<vmem>> -> memref<128x64xf32, #tpu.memory_space<vmem>>
    tpu.wait_dma2 semaphore(%dma_wait3A_98 : memref<!tpu.dma_semaphore, #tpu.memory_space<semaphore_mem>>) src(%dma_wait3A_104 : memref<128x64xf32, #tpu.memory_space<vmem>>) dst(%dma_wait3A_100 : memref<128x64xf32, #tpu.memory_space<hbm>>)
    %add3A_105 = arith.constant 50944 : i32
    %add3A_106 = arith.addi %mul3A_6, %add3A_105 : i32
    %dma_wait3A_107 = arith.constant 6 : i32
    %dma_wait3A_108 = arith.constant 6 : i32
    %dma_wait3A_109 = arith.constant 0 : i32
    %dma_wait3A_110 = arith.constant 0 : i32
    %dma_wait3A_111 = tpu.memref_slice %arg6[%dma_wait3A_107, %dma_wait3A_109, %dma_wait3A_110] : memref<8x128x64xf32, #tpu.memory_space<vmem>> -> memref<1x128x64xf32, #tpu.memory_space<vmem>>
    %dma_wait3A_112 = tpu.memref_squeeze %dma_wait3A_111 : memref<1x128x64xf32, #tpu.memory_space<vmem>> -> memref<128x64xf32, #tpu.memory_space<vmem>>
    %dma_wait3A_113 = arith.constant 0 : i32
    %dma_wait3A_114 = tpu.memref_slice %arg4[%add3A_106, %dma_wait3A_113] : memref<1638400x64xf32, #tpu.memory_space<hbm>> -> memref<128x64xf32, #tpu.memory_space<hbm>>
    %dma_wait3A_115 = tpu.memref_slice %arg8[%dma_wait3A_108] : memref<8x!tpu.dma_semaphore, #tpu.memory_space<semaphore_mem>> -> memref<1x!tpu.dma_semaphore, #tpu.memory_space<semaphore_mem>>
    %dma_wait3A_116 = tpu.memref_squeeze %dma_wait3A_115 : memref<1x!tpu.dma_semaphore, #tpu.memory_space<semaphore_mem>> -> memref<!tpu.dma_semaphore, #tpu.memory_space<semaphore_mem>>
    %dma_wait3A_117 = arith.constant 0 : i32
    %dma_wait3A_118 = tpu.memref_slice %arg4[%add3A_106, %dma_wait3A_117] : memref<1638400x64xf32, #tpu.memory_space<hbm>> -> memref<128x64xf32, #tpu.memory_space<hbm>>
    %dma_wait3A_119 = arith.constant 0 : i32
    %dma_wait3A_120 = arith.constant 0 : i32
    %dma_wait3A_121 = tpu.memref_slice %arg6[%dma_wait3A_107, %dma_wait3A_119, %dma_wait3A_120] : memref<8x128x64xf32, #tpu.memory_space<vmem>> -> memref<1x128x64xf32, #tpu.memory_space<vmem>>
    %dma_wait3A_122 = tpu.memref_squeeze %dma_wait3A_121 : memref<1x128x64xf32, #tpu.memory_space<vmem>> -> memref<128x64xf32, #tpu.memory_space<vmem>>
    tpu.wait_dma2 semaphore(%dma_wait3A_116 : memref<!tpu.dma_semaphore, #tpu.memory_space<semaphore_mem>>) src(%dma_wait3A_122 : memref<128x64xf32, #tpu.memory_space<vmem>>) dst(%dma_wait3A_118 : memref<128x64xf32, #tpu.memory_space<hbm>>)
    %add3A_123 = arith.constant 51072 : i32
    %add3A_124 = arith.addi %mul3A_6, %add3A_123 : i32
    %dma_wait3A_125 = arith.constant 7 : i32
    %dma_wait3A_126 = arith.constant 7 : i32
    %dma_wait3A_127 = arith.constant 0 : i32
    %dma_wait3A_128 = arith.constant 0 : i32
    %dma_wait3A_129 = tpu.memref_slice %arg6[%dma_wait3A_125, %dma_wait3A_127, %dma_wait3A_128] : memref<8x128x64xf32, #tpu.memory_space<vmem>> -> memref<1x128x64xf32, #tpu.memory_space<vmem>>
    %dma_wait3A_130 = tpu.memref_squeeze %dma_wait3A_129 : memref<1x128x64xf32, #tpu.memory_space<vmem>> -> memref<128x64xf32, #tpu.memory_space<vmem>>
    %dma_wait3A_131 = arith.constant 0 : i32
    %dma_wait3A_132 = tpu.memref_slice %arg4[%add3A_124, %dma_wait3A_131] : memref<1638400x64xf32, #tpu.memory_space<hbm>> -> memref<128x64xf32, #tpu.memory_space<hbm>>
    %dma_wait3A_133 = tpu.memref_slice %arg8[%dma_wait3A_126] : memref<8x!tpu.dma_semaphore, #tpu.memory_space<semaphore_mem>> -> memref<1x!tpu.dma_semaphore, #tpu.memory_space<semaphore_mem>>
    %dma_wait3A_134 = tpu.memref_squeeze %dma_wait3A_133 : memref<1x!tpu.dma_semaphore, #tpu.memory_space<semaphore_mem>> -> memref<!tpu.dma_semaphore, #tpu.memory_space<semaphore_mem>>
    %dma_wait3A_135 = arith.constant 0 : i32
    %dma_wait3A_136 = tpu.memref_slice %arg4[%add3A_124, %dma_wait3A_135] : memref<1638400x64xf32, #tpu.memory_space<hbm>> -> memref<128x64xf32, #tpu.memory_space<hbm>>
    %dma_wait3A_137 = arith.constant 0 : i32
    %dma_wait3A_138 = arith.constant 0 : i32
    %dma_wait3A_139 = tpu.memref_slice %arg6[%dma_wait3A_125, %dma_wait3A_137, %dma_wait3A_138] : memref<8x128x64xf32, #tpu.memory_space<vmem>> -> memref<1x128x64xf32, #tpu.memory_space<vmem>>
    %dma_wait3A_140 = tpu.memref_squeeze %dma_wait3A_139 : memref<1x128x64xf32, #tpu.memory_space<vmem>> -> memref<128x64xf32, #tpu.memory_space<vmem>>
    tpu.wait_dma2 semaphore(%dma_wait3A_134 : memref<!tpu.dma_semaphore, #tpu.memory_space<semaphore_mem>>) src(%dma_wait3A_140 : memref<128x64xf32, #tpu.memory_space<vmem>>) dst(%dma_wait3A_136 : memref<128x64xf32, #tpu.memory_space<hbm>>)
    return
  }
}

</mosaic_0001>

<sc_bundles>
// kernel: _sc_gather.3.cloned.1.call-start
scs
__scs_entry_jumppad:
0x0: {  	(pc) =	sbr.rel $0x88, $3  }
0x1: {  	(tag) =	ssettag $0x0;
	lr =	simm.s32 $0x1  }
0x2: {  	[smem:$0x3F9F] =	sst lr;
	_ =	strace $0xD0000000  }
0x3: {  	_ = 	snop  }
0x4: {  	_ = 	snop  }
0x5: {  	_ = 	snop  }
0x6: {  	_ = 	snop  }
0x7: {  	_ = 	snop  }
__scs_overlays_trampoline_lowered:
0x8: {  	[smem:$0x3FAE] =	sst s0  }
0x9: {  	[smem:$0x3FAF] =	sst s1  }
0xa: {  	[smem:$0x3FB0] =	sst s2  }
0xb: {  	[smem:$0x3FB1] =	sst s3  }
0xc: {  	[smem:$0x3FB2] =	sst s4  }
0xd: {  	[smem:$0x3FB3] =	sst s5  }
0xe: {  	[smem:$0x3FB4] =	sst s6  }
0xf: {  	[smem:$0x3FB5] =	sst s7  }
0x10: {  	[smem:$0x3FB6] =	sst s8  }
0x11: {  	[smem:$0x3FB7] =	sst s9;
	s0 =	simm.s32 @!p0 $0x0  }
0x12: {  	s1 =	sld [smem:$0x3F9D];
	s0 =	simm.s32 @p0 $0x1  }
0x13: {  	[smem:$0x3FB8] =	sst s0;
	s0 =	simm.s32 @!p1 $0x0  }
0x14: {  	s2 =	sld [smem:$0x3F9C];
	s0 =	simm.s32 @p1 $0x1  }
0x15: {  	[smem:$0x3FB9] =	sst s0;
	s0 =	simm.s32 @!p2 $0x0  }
0x16: {  	s3 =	sld [smem:$0x3FDB];
	s0 =	simm.s32 @p2 $0x1  }
0x17: {  	s4 =	simm.s32 $0x1BF5;
	[smem:$0x3FBB] =	sst s0  }
0x18: {  	s0 =	sld [smem:$0x3F9E];
	_ =	swait.ge [sflag:s4], $0x0  }
0x19: {  	s7 =	sld [smem:$0x3F9F]  }
0x1a: {  	s8 =	sadd.s32 $0xFFFFE003, lr  }
0x1b: {  	s9 =	sadd.s32 $0xFFFFFEF7, lr;
	s5 =	simm.s32 $0xFFFFFFFF;
	p2 =	slt.u32 s8, $0xFFFFF086  }
0x1c: {  	p1 =	slt.u32 s9, $0xF7A;
	s5 =	simm.s32 @!p2 $0x0  }
0x1d: {  	s5 =	simm.s32 @p1 $0x1;
	p0 =	seq.s32 s7, s2  }
0x1e: {  	s7 =	smul.u32 @!p0 $0xF7A, s2;
	p2 =	seq.s32 @!p0 s5, $0x0  }
0x1f: {  	s9 =	smul.u32 $0xF7A, s1;
	s8 =	simm.s32 @!p0 $0x1BF5;
	p2 =	por !p2, p0  }
0x20: {  	[sflag:s8] =	ssyncset.s32 @!p0 $0xFFFFF086;
	s6 =	sadd.s32 @!p0 s3, s7;
	s7 =	simm.s32 @!p0 $0x108  }
0x21: {  	s3 =	sadd.s32 s3, s9;
	s6 =	sadd.s32 @!p0 $0x88, s6;
	s7 =	simm.s32 @p2 $0x1082  }
0x22: {  	[simem:s7], [sflag:s8] =	dma.local @!p0 [hbm:s6], $0xF7A  }
0x23: {  	s9 =	sor.u32 $0xD0000000, s2;
	s6 =	simm.s32 $0x108;
	_ =	swait.ge @!p0 [sflag:s8], $0x0  }
0x24: {  	s3 =	sadd.s32 $0x88, s3;
	s6 =	simm.s32 @!p1 $0x1082;
	[sflag:s4] =	ssyncset.s32 $0xFFFFF086  }
0x25: {  	[simem:s6], [sflag:s4] =	dma.local [hbm:s3], $0xF7A  }
0x26: {  	[smem:$0x3F9F] =	sst s1;
	(tag) =	ssettag s2;
	_ =	strace s9  }
0x27: {  	s1 =	sld [smem:$0x3FAF]  }
0x28: {  	s2 =	sld [smem:$0x3FB0]  }
0x29: {  	s4 =	sld [smem:$0x3FB2]  }
0x2a: {  	p0 =	seq.s32 s5, $0x0;
	s5 =	sld [smem:$0x3FB3]  }
0x2b: {  	s6 =	sld [smem:$0x3FB4]  }
0x2c: {  	s7 =	sld [smem:$0x3FB5]  }
0x2d: {  	s3 =	simm.s32 $0x108;
	s8 =	sld [smem:$0x3FB6]  }
0x2e: {  	s3 =	simm.s32 @!p0 $0x1082;
	s9 =	sld [smem:$0x3FB7]  }
0x2f: {  	lr =	sadd.s32 s0, s3;
	s0 =	sld [smem:$0x3FAE]  }
0x30: {  	s3 =	sld [smem:$0x3FB1]  }
0x31: {  	[smem:$0x3FBA] =	sst s10  }
0x32: {  	s10 =	sld [smem:$0x3FB8];
	_ =	sdelay $0x3  }
0x33: {  	p0 =	seq.s32 s10, $0x1;
	s10 =	sld [smem:$0x3FBA];
	_ =	sdelay $0x3  }
0x34: {  	[smem:$0x3FBA] =	sst s10  }
0x35: {  	s10 =	sld [smem:$0x3FB9];
	_ =	sdelay $0x3  }
0x36: {  	p1 =	seq.s32 s10, $0x1;
	s10 =	sld [smem:$0x3FBA];
	_ =	sdelay $0x3  }
0x37: {  	[smem:$0x3FBA] =	sst s10  }
0x38: {  	s10 =	sld [smem:$0x3FBB]  }
0x39: {  	_ = 	snop;
	(pc) =	sbr.ind lr, $3  }
0x3a: {  	_ = 	snop  }
0x3b: {  	_ = 	snop  }
0x3c: {  	p2 =	seq.s32 s10, $0x1;
	s10 =	sld [smem:$0x3FBA]  }
0x3d: {  	_ =	shalt  }
0x3e: {  	_ =	shalt  }
0x3f: {  	_ =	shalt  }
0x40: {  	_ =	shalt  }
0x41: {  	_ =	shalt  }
0x42: {  	_ =	shalt  }
0x43: {  	_ =	shalt  }
0x44: {  	_ =	shalt  }
0x45: {  	_ =	shalt  }
0x46: {  	_ =	shalt  }
0x47: {  	_ =	shalt  }
0x48: {  	_ =	shalt  }
0x49: {  	_ =	shalt  }
0x4a: {  	_ =	shalt  }
0x4b: {  	_ =	shalt  }
0x4c: {  	_ =	shalt  }
0x4d: {  	_ =	shalt  }
0x4e: {  	_ =	shalt  }
0x4f: {  	_ =	shalt  }
0x50: {  	_ =	shalt  }
0x51: {  	_ =	shalt  }
0x52: {  	_ =	shalt  }
0x53: {  	_ =	shalt  }
0x54: {  	_ =	shalt  }
0x55: {  	_ =	shalt  }
0x56: {  	_ =	shalt  }
0x57: {  	_ =	shalt  }
0x58: {  	_ =	shalt  }
0x59: {  	_ =	shalt  }
0x5a: {  	_ =	shalt  }
0x5b: {  	_ =	shalt  }
0x5c: {  	_ =	shalt  }
0x5d: {  	_ =	shalt  }
0x5e: {  	_ =	shalt  }
0x5f: {  	_ =	shalt  }
0x60: {  	_ =	shalt  }
0x61: {  	_ =	shalt  }
0x62: {  	_ =	shalt  }
0x63: {  	_ =	shalt  }
0x64: {  	_ =	shalt  }
0x65: {  	_ =	shalt  }
0x66: {  	_ =	shalt  }
0x67: {  	_ =	shalt  }
0x68: {  	_ =	shalt  }
0x69: {  	_ =	shalt  }
0x6a: {  	_ =	shalt  }
0x6b: {  	_ =	shalt  }
0x6c: {  	_ =	shalt  }
0x6d: {  	_ =	shalt  }
0x6e: {  	_ =	shalt  }
0x6f: {  	_ =	shalt  }
0x70: {  	_ =	shalt  }
0x71: {  	_ =	shalt  }
0x72: {  	_ =	shalt  }
0x73: {  	_ =	shalt  }
0x74: {  	_ =	shalt  }
0x75: {  	_ =	shalt  }
0x76: {  	_ =	shalt  }
0x77: {  	_ =	shalt  }
0x78: {  	_ =	shalt  }
0x79: {  	_ =	shalt  }
0x7a: {  	_ =	shalt  }
0x7b: {  	_ =	shalt  }
0x7c: {  	_ =	shalt  }
0x7d: {  	_ =	shalt  }
0x7e: {  	_ =	shalt  }
0x7f: {  	_ =	shalt  }
0x80: {  	_ =	shalt  }
0x81: {  	_ =	shalt  }
0x82: {  	_ =	shalt  }
0x83: {  	_ =	shalt  }
0x84: {  	_ =	shalt  }
0x85: {  	_ =	shalt  }
0x86: {  	_ =	shalt  }
0x87: {  	_ =	shalt  }
.Lfunc_end0:
.L_simem_size_0:
called_computation.1_lowered:
.L_overlay_start_0:
0x88: {  	s2 =	sld [smem:$0x3FD9]  }
0x89: {  	s3 =	sld [smem:$0x3FFE];
	_ =	sdelay $0x1  }
0x8a: {  	s1 =	srdreg.scid  }
0x8b: {  	s0 =	sand.u32 $0x1, s1  }
0x8c: {  	s17 =	sshll.u32 s0, $0xA;
	s2 =	sadd.s32 s3, s2  }
0x8d: {  	s2 =	sadd.s32 s2, s17  }
0x8e: {  	[smem:$0x3FC6] =	sst s2  }
0x8f: {  	_ = 	snop  }
0x90: {  	s2 =	sld [smem:$0x3FC8]  }
0x91: {  	s18 =	sld [smem:$0x3FD0];
	(tm) =	ssettm $0x1  }
0x92: {  	s4 =	sld [smem:$0x3FFB];
	_ =	sdelay $0x3  }
0x93: {  	_ =	strace s4  }
0x94: {  	s4 =	sld [smem:$0x3FFC];
	_ =	sdelay $0x3  }
0x95: {  	_ =	strace s4  }
0x96: {  	s4 =	sld [smem:$0x3FFD];
	_ =	sdelay $0x3  }
0x97: {  	_ =	strace s4  }
0x98: {  	_ =	strace $0x8FFFFFFF  }
0x99: {  	s19 =	sld [smem:$0x3FDB];
	_ =	sdelay $0x1  }
0x9a: {  	s5 =	simm.s32 $_scs_section_size  }
0x9b: {  	s6 =	simm.s32 $_size__tile_overlayer_lowered;
	s7 =	simm.s32 $_tile_overlayer_lowered  }
0x9c: {  	s22 =	simm.s32 $0x1BFF;
	s21 =	sshll.u32 s7, $0x1;
	s4 =	sadd.s32 s5, s19  }
0x9d: {  	s8 =	simm.s32 $0x0;
	s20 =	sshll.u32 s6, $0x1;
	s6 =	sadd.s32 s21, s4  }
0x9e: {  	[timem:s8], [sflag:s22] =	dma.local [hbm:s6], s20  }
0x9f: {  	_ =	swait.ge [sflag:s22], s20  }
0xa0: {  	s5 =	ssub.s32 $0x0, s20;
	[sflag:s22] =	ssyncset.done $0x0  }
0xa1: {  	[sflag:s22] =	ssyncadd.s32 s5;
	_ =	sdelay $0x1  }
0xa2: {  	s23 =	simm.s32 $0x1B8B  }
0xa3: {  	_ =	swait.ge [sflag:s23], $0x1  }
0xa4: {  	[sflag:s23] =	ssyncset.done $0x0  }
0xa5: {  	s25 =	simm.s32 $0x1B8E;
	s24 =	sld [smem:$0x3FFE];
	[sflag:s23] =	ssyncadd.s32 $0xFFFFFFFF  }
0xa6: {  	s26 =	simm.s32 $execute0_lowered;
	[smem:$0x3FD2] =	sst s25  }
0xa7: {  	s6 =	sshll.u32 s26, $0x1;
	_ =	strace $0x80000046;
	[dreg:$0x1] =	wrdreg $0xFFFFFFFF  }
0xa8: {  	s28 =	simm.s32 $_size_execute0_lowered;
	s4 =	sadd.s32 s4, s6;
	[dreg:$0x0] =	wrdreg $0x0  }
0xa9: {  	s6 =	sshll.u32 s28, $0x1;
	[dreg:$0x2] =	wrdreg s4  }
0xaa: {  	[dreg:$0x3] =	wrdreg s6  }
0xab: {  	[dreg:$0x4] =	wrdreg $0xC0  }
0xac: {  	_ =	task [dreg:s8], $0x5FFFF  }
0xad: {  	[dreg:$0x1] =	wrdreg $0xFFFFFFFF  }
0xae: {  	[dreg:$0x0] =	wrdreg $0x60  }
0xaf: {  	[dreg:$0x2] =	wrdreg s24  }
0xb0: {  	[dreg:$0x3] =	wrdreg s2  }
0xb1: {  	[dreg:$0x4] =	wrdreg s18  }
0xb2: {  	[dreg:$0x5] =	wrdreg $0x9  }
0xb3: {  	_ =	task.clear_ibuf [dreg:s8], $0x6FFFF;
	_ =	strace $0x90000046  }
0xb4: {  	s29 =	simm.s32 $0x9;
	_ =	strace $0x80000048  }
0xb5: {  	_ =	swait.ge [sflag:s29], $0x1  }
0xb6: {  	[sflag:s29] =	ssyncadd.s32 $0xFFFFFFFF  }
0xb7: {  	_ =	strace $0x90000048  }
0xb8: {  	_ =	sfence  }
0xb9: {  	s30 =	sld [smem:$0x0];
	_ =	sdelay $0x2  }
0xba: {  	s31 =	sshll.u32 s1, $0xD;
	s1 =	sshrl.u32 s1, $0x2  }
0xbb: {  	s3 =	sand.u32 $0x4000, s31;
	s1 =	sadd.s32 s1, s30  }
0xbc: {  	s0 =	sor.u32 s3, s0;
	s1 =	sshll.u32 s1, $0x11  }
0xbd: {  	s0 =	sor.u32 s1, s0  }
0xbe: {  	s0 =	sadd.s32 $0x8F2B, s0  }
0xbf: {  	[sflag:s0] =	ssyncadd.remote.s32 $0x1  }
0xc0: {  	_ =	sfence.sel $0xFFFF  }
0xc1: {  	[dreg:$0x0] =	wrdreg $0xFFFFFFFF;
	(pc) =	sbr.abs _section_cstart, $3  }
0xc2: {  	[dreg:$0x1] =	wrdreg $0xFFFFFFFF  }
0xc3: {  	_ =	task.clear_ibuf [dreg:s8], $0x2FFFF;
	_ =	strace $0x9FFFFFFF  }
0xc4: {  	(tm) =	ssettm $0x7FFFFFFF  }
0xc5: {  	_ =	shalt  }
tec
execute0_lowered:
.L_overlay_start_1:
0x0: {  	(tag) =	ssettag $0x1  }
0x1: {  	s0 =	srdreg.scid;
	s1 =	rddreg [dreg:$0x0]  }
0x2: {  	s4 =	stileid.u32;
	s5 =	rddreg [dreg:$0x1]  }
0x3: {  	s3 =	simm.s32 $0x0;
	s16 =	simm.s32 $0x80;
	s28 =	simm.s32 $0x3  }
0x4: {  	s29 =	simm.s32 $0x18800;
	s30 =	simm.s32 $0x4;
	s31 =	simm.s32 $0x1A800  }
0x5: {  	s15 =	simm.s32 $0xC;
	s9 =	simm.s32 $0x0;
	s0 =	sand.u32 $0x1, s0  }
0x6: {  	s2 =	sshll.u32 s4, $0x1;
	s6 =	smul.u32 $0x640000, s4;
	[smem:$0x7FF] =	sst s3  }
0x7: {  	s2 =	sor.u32 s0, s2;
	s7 =	ssub.s32 $0x2, s0;
	s0 =	smul.u32 $0x320000, s0  }
0x8: {  	s4 =	sadd.s32 $0xF42C00, s1;
	s2 =	smul.u32 $0x1900, s2;
	s18 =	sshrl.u32 s7, $0x1  }
0x9: {  	_ =	strace $0x80000047;
	s1 =	ssub.s32 s7, s18;
	s0 =	sadd.s32 s0, s6  }
0xa: {  	s6 =	simm.s32 $0x8;
	s2 =	sadd.s32 s5, s2;
	s1 =	smax.u32 s1, $0x1  }
0xb: {  	s19 =	sor.u32 $0x6000, s0;
	s20 =	sor.u32 $0x4000, s0;
	s22 =	sor.u32 $0x2000, s0  }
0xc: {  	s23 =	sshrl.u32 s0, $0x3;
	s24 =	sor.u32 $0xE000, s0;
	s25 =	sor.u32 $0xC000, s0  }
0xd: {  	s26 =	sor.u32 $0xA000, s0;
	s0 =	sor.u32 $0x8000, s0;
	[dreg:$0x4] =	wrdreg s2  }
0xe: {  	s5 =	simm.s32 $0xB;
	[dreg:$0x5] =	wrdreg s1;
	s1 =	sshrl.u32 s19, $0x3  }
0xf: {  	s21 =	sshrl.u32 s20, $0x3;
	[dreg:$0x9] =	wrdreg s23;
	s11 =	sshrl.u32 s24, $0x3  }
0x10: {  	s12 =	sshrl.u32 s25, $0x3;
	s13 =	sshrl.u32 s26, $0x3;
	s14 =	sshrl.u32 s0, $0x3  }
.Ltmp0:
0x11: {  	s23 =	simm.s32 $0x1;
	s24 =	simm.s32 $0x14800;
	(pc) =	sbr.rel .LBB2_1-.Ltmp0, $4  }
0x12: {  	s25 =	simm.s32 $0x2;
	s26 =	simm.s32 $0x16800;
	s0 =	simm.s32 $0x9  }
0x13: {  	s2 =	simm.s32 $0x6;
	s19 =	simm.s32 $0xA;
	[dreg:$0x6] =	wrdreg s1  }
0x14: {  	[dreg:$0x7] =	wrdreg s21;
	s1 =	sshrl.u32 s22, $0x3;
	s22 =	simm.s32 $0x12800  }
0x15: {  	s21 =	simm.s32 $0x7;
	[dreg:$0x8] =	wrdreg s1;
	s1 =	simm.s32 $0x5  }
.LBB2_4:
0x16: {  	s7 =	simm.s32 $0xD  }
0x17: {  	_ =	swait.ge [sflag:s7], $0x2000  }
0x18: {  	[sflag:s7] =	ssyncset.done $0x0  }
0x19: {  	s17 =	simm.s32 $0xE;
	[sflag:s7] =	ssyncadd.s32 $0xFFFFE000  }
0x1a: {  	_ =	swait.ge [sflag:s17], $0x2000  }
0x1b: {  	[sflag:s17] =	ssyncset.done $0x0  }
0x1c: {  	s18 =	simm.s32 $0xF;
	[sflag:s17] =	ssyncadd.s32 $0xFFFFE000  }
0x1d: {  	_ =	swait.ge [sflag:s18], $0x2000  }
0x1e: {  	[sflag:s18] =	ssyncset.done $0x0  }
0x1f: {  	s8 =	simm.s32 $0x10;
	[sflag:s18] =	ssyncadd.s32 $0xFFFFE000  }
0x20: {  	_ =	swait.ge [sflag:s8], $0x2000  }
0x21: {  	s9 =	rddreg [dreg:$0xa]  }
0x22: {  	s20 =	rddreg [dreg:$0x5];
	s9 =	sadd.s32 $0x1, s9  }
0x23: {  	p0 =	sne.s32 s9, s20  }
.Ltmp1:
0x24: {  	_ = 	snop;
	(pc) =	sbr.rel @!p0 .LBB2_5-.Ltmp1, $3  }
0x25: {  	_ =	sdelay $0x1  }
0x26: {  	[sflag:s8] =	ssyncset.done $0x0  }
0x27: {  	[sflag:s8] =	ssyncadd.s32 $0xFFFFE000  }
.LBB2_1:
0x28: {  	[dreg:$0xa] =	wrdreg s9  }
0x29: {  	s7 =	rddreg [dreg:$0x4];
	s9 =	simm.s32 $0x11  }
0x2a: {  	[tilespmem:s3], [sflag:$0x11] =	stream.linear.gather [hbm4b:s7+s3], $0xC800, $0x38;
	[tilespmem:$0x1C800] =	vst v63  }
0x2b: {  	_ =	swait.ge [sflag:s9], $0xC800  }
0x2c: {  	[sflag:s9] =	ssyncset.done $0x0  }
0x2d: {  	s10 =	simm.s32 $0xC800;
	[sflag:s9] =	ssyncadd.s32 $0xFFFF3800  }
0x2e: {  	[tilespmem:s10], [sflag:$0x1] =	stream.indirect.gather [hbm4b:s4+s16], $0x40, s3, s16, $0xb8;
	[tilespmem:$0x1C800] =	vst v63  }
0x2f: {  	s17 =	simm.s32 $0xE800  }
0x30: {  	[tilespmem:s17], [sflag:$0x2] =	stream.indirect.gather [hbm4b:s4+s16], $0x40, s16, s16, $0xb8;
	[tilespmem:$0x1C800] =	vst v63  }
0x31: {  	s18 =	simm.s32 $0x100;
	s8 =	simm.s32 $0x10800  }
0x32: {  	[tilespmem:s8], [sflag:$0x3] =	stream.indirect.gather [hbm4b:s4+s16], $0x40, s18, s16, $0xb8;
	[tilespmem:$0x1C800] =	vst v63  }
0x33: {  	s20 =	simm.s32 $0x180;
	s17 =	rddreg [dreg:$0x2];
	s18 =	simm.s32 $0x0  }
0x34: {  	[tilespmem:s22], [sflag:$0x4] =	stream.indirect.gather [hbm4b:s4+s16], $0x40, s20, s16, $0xb8;
	[tilespmem:$0x1C800] =	vst v63  }
.LBB2_2:
0x35: {  	_ =	swait.ge [sflag:s23], $0x2000;
	s8 =	simm.s32 $0xC800  }
0x36: {  	p0 =	seq.s32 s18, $0x0;
	[sflag:s23] =	ssyncset.done $0x0;
	s7 =	rddreg [dreg:$0x9]  }
0x37: {  	[sflag:s23] =	ssyncadd.s32 $0xFFFFE000;
	s20 =	sadd.s32 s17, s7;
	s7 =	simm.s32 @!p0 $0xD  }
0x38: {  	[hbm4b:s20+s3] =	stream.linear.scatter [tilespmem:s8], [sflag:$0x9], $0x2000, $0x38;
	[tilespmem:$0x1C800] =	vst v63  }
0x39: {  	_ =	swait.ge @!p0 [sflag:s7], $0x2000  }
0x3a: {  	s20 =	sshra.s32 s18, $0x2;
	[sflag:s7] =	ssyncset.done @!p0 $0x0  }
0x3b: {  	s9 =	sadd.s32 $0x200, s20;
	[sflag:s7] =	ssyncadd.s32 @!p0 $0xFFFFE000  }
0x3c: {  	[tilespmem:s24], [sflag:$0x5] =	stream.indirect.gather [hbm4b:s4+s16], $0x40, s9, s16, $0xb8;
	[tilespmem:$0x1C800] =	vst v63  }
0x3d: {  	_ =	swait.ge [sflag:s25], $0x2000  }
0x3e: {  	[sflag:s25] =	ssyncset.done $0x0;
	s10 =	rddreg [dreg:$0x8]  }
0x3f: {  	s8 =	simm.s32 $0xE800;
	[sflag:s25] =	ssyncadd.s32 $0xFFFFE000;
	s7 =	sadd.s32 s17, s10  }
0x40: {  	[hbm4b:s7+s3] =	stream.linear.scatter [tilespmem:s8], [sflag:$0xA], $0x2000, $0x38;
	[tilespmem:$0x1C800] =	vst v63  }
0x41: {  	s7 =	simm.s32 @!p0 $0xE  }
0x42: {  	_ =	swait.ge @!p0 [sflag:s7], $0x2000  }
0x43: {  	[sflag:s7] =	ssyncset.done @!p0 $0x0  }
0x44: {  	s8 =	sadd.s32 $0x280, s20;
	[sflag:s7] =	ssyncadd.s32 @!p0 $0xFFFFE000  }
0x45: {  	[tilespmem:s26], [sflag:$0x6] =	stream.indirect.gather [hbm4b:s4+s16], $0x40, s8, s16, $0xb8;
	[tilespmem:$0x1C800] =	vst v63  }
0x46: {  	_ =	swait.ge [sflag:s28], $0x2000  }
0x47: {  	[sflag:s28] =	ssyncset.done $0x0;
	s9 =	rddreg [dreg:$0x7]  }
0x48: {  	s10 =	simm.s32 $0x10800;
	[sflag:s28] =	ssyncadd.s32 $0xFFFFE000;
	s7 =	sadd.s32 s17, s9  }
0x49: {  	[hbm4b:s7+s3] =	stream.linear.scatter [tilespmem:s10], [sflag:$0xB], $0x2000, $0x38;
	[tilespmem:$0x1C800] =	vst v63  }
0x4a: {  	s7 =	simm.s32 @!p0 $0xF  }
0x4b: {  	_ =	swait.ge @!p0 [sflag:s7], $0x2000  }
0x4c: {  	[sflag:s7] =	ssyncset.done @!p0 $0x0  }
0x4d: {  	s9 =	sadd.s32 $0x300, s20;
	[sflag:s7] =	ssyncadd.s32 @!p0 $0xFFFFE000  }
0x4e: {  	[tilespmem:s29], [sflag:$0x7] =	stream.indirect.gather [hbm4b:s4+s16], $0x40, s9, s16, $0xb8;
	[tilespmem:$0x1C800] =	vst v63  }
0x4f: {  	_ =	swait.ge [sflag:s30], $0x2000  }
0x50: {  	[sflag:s30] =	ssyncset.done $0x0;
	s10 =	rddreg [dreg:$0x6]  }
0x51: {  	[sflag:s30] =	ssyncadd.s32 $0xFFFFE000;
	s7 =	sadd.s32 s17, s10  }
0x52: {  	[hbm4b:s7+s3] =	stream.linear.scatter [tilespmem:s22], [sflag:$0xC], $0x2000, $0x38;
	[tilespmem:$0x1C800] =	vst v63  }
0x53: {  	s7 =	simm.s32 @!p0 $0x10  }
0x54: {  	_ =	swait.ge @!p0 [sflag:s7], $0x2000  }
0x55: {  	[sflag:s7] =	ssyncset.done @!p0 $0x0  }
0x56: {  	s8 =	sadd.s32 $0x380, s20;
	[sflag:s7] =	ssyncadd.s32 @!p0 $0xFFFFE000  }
0x57: {  	[tilespmem:s31], [sflag:$0x8] =	stream.indirect.gather [hbm4b:s4+s16], $0x40, s8, s16, $0xb8;
	[tilespmem:$0x1C800] =	vst v63  }
0x58: {  	_ =	swait.ge [sflag:s1], $0x2000  }
0x59: {  	[sflag:s1] =	ssyncset.done $0x0  }
0x5a: {  	s9 =	sadd.s32 s17, s14;
	[sflag:s1] =	ssyncadd.s32 $0xFFFFE000  }
0x5b: {  	[hbm4b:s9+s3] =	stream.linear.scatter [tilespmem:s24], [sflag:$0xD], $0x2000, $0x38;
	[tilespmem:$0x1C800] =	vst v63  }
0x5c: {  	p0 =	seq.s32 s18, $0x31000;
	_ =	swait.ge [sflag:s0], $0x2000  }
0x5d: {  	s7 =	sshra.s32 @!p0 s18, $0x2;
	s10 =	simm.s32 @!p0 $0xC800;
	[sflag:s0] =	ssyncset.done $0x0  }
0x5e: {  	s8 =	sadd.s32 @!p0 $0x400, s7;
	s9 =	simm.s32 @!p0 $0x80;
	[sflag:s0] =	ssyncadd.s32 $0xFFFFE000  }
0x5f: {  	[tilespmem:s10], [sflag:$0x1] =	stream.indirect.gather @!p0 [hbm4b:s4+s9], $0x40, s8, s9, $0xb8;
	[tilespmem:$0x1C800] =	vst v63  }
0x60: {  	_ =	swait.ge [sflag:s2], $0x2000  }
0x61: {  	[sflag:s2] =	ssyncset.done $0x0  }
0x62: {  	s10 =	sadd.s32 s17, s13;
	[sflag:s2] =	ssyncadd.s32 $0xFFFFE000  }
0x63: {  	[hbm4b:s10+s3] =	stream.linear.scatter [tilespmem:s26], [sflag:$0xE], $0x2000, $0x38;
	[tilespmem:$0x1C800] =	vst v63  }
0x64: {  	_ =	swait.ge [sflag:s19], $0x2000  }
0x65: {  	[sflag:s19] =	ssyncset.done $0x0  }
0x66: {  	s8 =	sadd.s32 @!p0 $0x480, s7;
	s10 =	simm.s32 @!p0 $0xE800;
	[sflag:s19] =	ssyncadd.s32 $0xFFFFE000  }
0x67: {  	[tilespmem:s10], [sflag:$0x2] =	stream.indirect.gather @!p0 [hbm4b:s4+s9], $0x40, s8, s9, $0xb8;
	[tilespmem:$0x1C800] =	vst v63  }
0x68: {  	_ =	swait.ge [sflag:s21], $0x2000  }
0x69: {  	[sflag:s21] =	ssyncset.done $0x0  }
0x6a: {  	s10 =	sadd.s32 s17, s12;
	[sflag:s21] =	ssyncadd.s32 $0xFFFFE000  }
0x6b: {  	[hbm4b:s10+s3] =	stream.linear.scatter [tilespmem:s29], [sflag:$0xF], $0x2000, $0x38;
	[tilespmem:$0x1C800] =	vst v63  }
0x6c: {  	_ =	swait.ge [sflag:s5], $0x2000  }
0x6d: {  	[sflag:s5] =	ssyncset.done $0x0  }
0x6e: {  	s7 =	sadd.s32 @!p0 $0x500, s7;
	s8 =	simm.s32 @!p0 $0x10800;
	[sflag:s5] =	ssyncadd.s32 $0xFFFFE000  }
0x6f: {  	[tilespmem:s8], [sflag:$0x3] =	stream.indirect.gather @!p0 [hbm4b:s4+s9], $0x40, s7, s9, $0xb8;
	[tilespmem:$0x1C800] =	vst v63  }
0x70: {  	_ =	swait.ge [sflag:s6], $0x2000  }
0x71: {  	[sflag:s6] =	ssyncset.done $0x0  }
.Ltmp2:
0x72: {  	s10 =	sadd.s32 s17, s11;
	[sflag:s6] =	ssyncadd.s32 $0xFFFFE000;
	(pc) =	sbr.rel @p0 .LBB2_4-.Ltmp2, $4  }
0x73: {  	[hbm4b:s10+s3] =	stream.linear.scatter [tilespmem:s31], [sflag:$0x10], $0x2000, $0x38;
	[tilespmem:$0x1C800] =	vst v63  }
0x74: {  	_ =	swait.ge [sflag:s15], $0x2000  }
0x75: {  	[sflag:s15] =	ssyncset.done $0x0  }
0x76: {  	[sflag:s15] =	ssyncadd.s32 $0xFFFFE000  }
.Ltmp3:
0x77: {  	(pc) =	sbr.rel .LBB2_2-.Ltmp3, $3  }
0x78: {  	_ =	sdelay $0x1  }
0x79: {  	s7 =	sadd.s32 $0x580, s20;
	s18 =	sadd.s32 $0x1000, s18;
	s17 =	sadd.s32 $0x2000, s17  }
0x7a: {  	[tilespmem:s22], [sflag:$0x4] =	stream.indirect.gather [hbm4b:s4+s16], $0x40, s7, s16, $0xb8;
	[tilespmem:$0x1C800] =	vst v63  }
.LBB2_5:
0x7b: {  	_ =	sfence.sel $0x180000  }
0x7c: {  	[bflag:$0x0] =	sbarrier.arrive $0xFFFF  }
0x7d: {  	_ =	strace $0x90000047  }
0x7e: {  	s0 =	stileid.u32;
	[bflag:$0x2] =	sbarrier.arrive $0xFFFF  }
0x7f: {  	p0 =	sne.s32 s0, $0x0;
	s0 =	rddreg [dreg:$0x3]  }
0x80: {  	s0 =	sadd.s32 @!p0 $0x100000, s0  }
0x81: {  	[sflag:s0] =	ssyncadd.tile.s32 @!p0 $0x1;
	_ =	shalt  }
.Lfunc_end2:
_tile_overlayer_lowered:
.L_overlay_start_2:
0x82: {  	(tag) =	ssettag $0x2  }
0x83: {  	s0 =	rddreg [dreg:$0x0];
	s2 =	stileid.u32  }
0x84: {  	s1 =	rddreg [dreg:$0x1];
	p0 =	sne.s32 s2, $0x0  }
0x85: {  	s3 =	rddreg [dreg:$0x2];
	[bflag:$0x3] =	sbarrier.arrive $0xFFFF;
	s2 =	simm.s32 @!p0 $0x1C11  }
0x86: {  	[timem:s3], [sflag:s2] =	dma.local @!p0 [hbm:s0], s1  }
0x87: {  	s0 =	simm.s32 @!p0 $0x11  }
0x88: {  	_ =	swait.ge @!p0 [sflag:s0], s1  }
0x89: {  	s1 =	ssub.s32 @!p0 $0x0, s1;
	[sflag:s0] =	ssyncset.done @!p0 $0x0  }
0x8a: {  	[sflag:s0] =	ssyncadd.s32 @!p0 s1  }
0x8b: {  	[bflag:$0x3] =	sbarrier.arrive $0xFFFF  }
0x8c: {  	_ =	shalt  }

// kernel: sparse-core-data-format-call.cloned.1.call-start
scs
called_computation_lowered:
.L_overlay_start_0:
0x0: {  	s2 =	sld [smem:$0x3FD9]  }
0x1: {  	s3 =	sld [smem:$0x3FFE];
	_ =	sdelay $0x1  }
0x2: {  	s1 =	srdreg.scid  }
0x3: {  	s0 =	sand.u32 $0x1, s1  }
0x4: {  	s18 =	sshll.u32 s0, $0xA;
	s2 =	sadd.s32 s3, s2  }
0x5: {  	s2 =	sadd.s32 s2, s18  }
0x6: {  	[smem:$0x3FC6] =	sst s2  }
0x7: {  	_ = 	snop  }
0x8: {  	s2 =	sld [smem:$0x3FD0];
	(tm) =	ssettm $0x1  }
0x9: {  	s19 =	sld [smem:$0x3FFB];
	_ =	sdelay $0x3  }
0xa: {  	_ =	strace s19  }
0xb: {  	s3 =	sld [smem:$0x3FFC];
	_ =	sdelay $0x3  }
0xc: {  	_ =	strace s3  }
0xd: {  	s3 =	sld [smem:$0x3FFD];
	_ =	sdelay $0x3  }
0xe: {  	_ =	strace s3  }
0xf: {  	_ =	strace $0x8FFFFFFF  }
0x10: {  	s20 =	sld [smem:$0x3FDB];
	_ =	sdelay $0x1  }
0x11: {  	s4 =	simm.s32 $_scs_section_size  }
0x12: {  	s5 =	simm.s32 $_size__tile_overlayer_lowered;
	s6 =	simm.s32 $_tile_overlayer_lowered  }
0x13: {  	s23 =	simm.s32 $0x1BFF;
	s22 =	sshll.u32 s6, $0x1;
	s3 =	sadd.s32 s4, s20  }
0x14: {  	s7 =	simm.s32 $0x0;
	s21 =	sshll.u32 s5, $0x1;
	s5 =	sadd.s32 s22, s3  }
0x15: {  	[timem:s7], [sflag:s23] =	dma.local [hbm:s5], s21  }
0x16: {  	_ =	swait.ge [sflag:s23], s21  }
0x17: {  	s4 =	ssub.s32 $0x0, s21;
	[sflag:s23] =	ssyncset.done $0x0  }
0x18: {  	[sflag:s23] =	ssyncadd.s32 s4;
	_ =	sdelay $0x1  }
0x19: {  	s24 =	simm.s32 $0x1B8B  }
0x1a: {  	_ =	swait.ge [sflag:s24], $0x1  }
0x1b: {  	[sflag:s24] =	ssyncset.done $0x0  }
0x1c: {  	s26 =	simm.s32 $0x1B8E;
	s25 =	sld [smem:$0x3FFE];
	[sflag:s24] =	ssyncadd.s32 $0xFFFFFFFF  }
0x1d: {  	s27 =	simm.s32 $execute0_lowered;
	[smem:$0x3FD2] =	sst s26  }
0x1e: {  	s5 =	sshll.u32 s27, $0x1;
	_ =	strace $0x80000049;
	[dreg:$0x1] =	wrdreg $0xFFFFFFFF  }
0x1f: {  	s28 =	simm.s32 $_size_execute0_lowered;
	s3 =	sadd.s32 s3, s5;
	[dreg:$0x0] =	wrdreg $0x0  }
0x20: {  	s5 =	sshll.u32 s28, $0x1;
	[dreg:$0x2] =	wrdreg s3  }
0x21: {  	[dreg:$0x3] =	wrdreg s5  }
0x22: {  	[dreg:$0x4] =	wrdreg $0xC0  }
0x23: {  	_ =	task [dreg:s7], $0x5FFFF  }
0x24: {  	[dreg:$0x1] =	wrdreg $0xFFFFFFFF  }
0x25: {  	[dreg:$0x0] =	wrdreg $0x60  }
0x26: {  	[dreg:$0x2] =	wrdreg s25  }
0x27: {  	[dreg:$0x3] =	wrdreg s2  }
0x28: {  	[dreg:$0x4] =	wrdreg $0x9  }
0x29: {  	_ =	task.clear_ibuf [dreg:s7], $0x5FFFF;
	_ =	strace $0x90000049  }
0x2a: {  	s29 =	simm.s32 $0x9;
	_ =	strace $0x8000004B  }
0x2b: {  	_ =	swait.ge [sflag:s29], $0x1  }
0x2c: {  	[sflag:s29] =	ssyncadd.s32 $0xFFFFFFFF  }
0x2d: {  	_ =	strace $0x9000004B  }
0x2e: {  	_ =	sfence  }
0x2f: {  	s30 =	sld [smem:$0x0];
	_ =	sdelay $0x2  }
0x30: {  	s31 =	sshll.u32 s1, $0xD;
	s1 =	sshrl.u32 s1, $0x2  }
0x31: {  	s3 =	sand.u32 $0x4000, s31;
	s1 =	sadd.s32 s1, s30  }
0x32: {  	s0 =	sor.u32 s3, s0;
	s1 =	sshll.u32 s1, $0x11  }
0x33: {  	s0 =	sor.u32 s1, s0  }
0x34: {  	s0 =	sadd.s32 $0x8F2B, s0  }
0x35: {  	[sflag:s0] =	ssyncadd.remote.s32 $0x1  }
0x36: {  	_ =	sfence.sel $0xFFFF  }
0x37: {  	[dreg:$0x0] =	wrdreg $0xFFFFFFFF;
	(pc) =	sbr.abs _section_cstart, $3  }
0x38: {  	[dreg:$0x1] =	wrdreg $0xFFFFFFFF  }
0x39: {  	_ =	task.clear_ibuf [dreg:s7], $0x2FFFF;
	_ =	strace $0x9FFFFFFF  }
0x3a: {  	(tm) =	ssettm $0x7FFFFFFF  }
0x3b: {  	_ =	shalt  }
tec
execute0_lowered:
.L_overlay_start_1:
0x0: {  	(tag) =	ssettag $0x1  }
0x1: {  	s0 =	srdreg.scid  }
0x2: {  	s1 =	sshll.u32 s0, $0x4  }
0x3: {  	s4 =	rddreg [dreg:$0x0];
	s0 =	stileid.u32;
	s1 =	sand.u32 $0x10, s1  }
0x4: {  	s2 =	rddreg [dreg:$0x1];
	s7 =	simm.s32 $0x1;
	s1 =	sor.u32 s0, s1  }
0x5: {  	s8 =	simm.s32 $0x2;
	s11 =	simm.s32 $0x0;
	s3 =	sshll.u32 s1, $0x7  }
0x6: {  	s10 =	simm.s32 $0x0;
	s4 =	sadd.s32 $0x800, s4;
	s6 =	ssub.s32 $0x190000, s3  }
.Ltmp0:
0x7: {  	s1 =	rddreg [dreg:$0x2];
	s5 =	sand.u32 $0xF80, s6;
	(pc) =	sbr.rel .LBB1_1-.Ltmp0, $4  }
0x8: {  	_ =	strace $0x8000004A;
	s9 =	smov.u32 s3;
	p0 =	sne.s32 s5, $0x0  }
0x9: {  	s6 =	sshrl.u32 s6, $0xC;
	s5 =	simm.s32 $0x1;
	s7 =	simm.s32 @!p0 $0x0  }
0xa: {  	[sflag:s5] =	ssyncpa.u1 $0x0;
	p0 =	por $0x0, $0x0;
	s6 =	sadd.s32 s7, s6  }
0xb: {  	[sflag:s8] =	ssyncpa.u1 $0x0;
	s8 =	simm.s32 $0xC80000;
	s7 =	sadd.s32 $0x1, s6  }
.LBB1_4:
0xc: {  	s14 =	sshll.u32 s11, $0x3  }
0xd: {  	s30 =	sand.u32 $0x7F, s11;
	s15 =	sand.u32 $0xFFFFFC00, s14  }
0xe: {  	s11 =	sor.u32 s30, s15  }
0xf: {  	s15 =	smulhi.u32 $0x51EB851F, s11  }
0x10: {  	s14 =	smulhi.u32 $0x51EB851F, s14  }
0x11: {  	s15 =	sshrl.u32 s15, $0x13  }
0x12: {  	s14 =	sshrl.u32 s14, $0x13;
	s15 =	smul.u32 $0x190000, s15  }
0x13: {  	s14 =	sand.u32 $0x3F, s14  }
0x14: {  	s14 =	smul.u32 $0x32000, s14;
	s11 =	ssub.s32 s11, s15  }
0x15: {  	[tilespmem:s13+$0x810 ss:$0x81] =	vst.msk $0xffff, v2;
	s15 =	sand.u32 $0x7, s11  }
0x16: {  	[tilespmem:s13+$0x1020 ss:$0x81] =	vst.msk $0xffff, v0;
	s14 =	sadd.s32 s2, s14;
	s11 =	sshrl.u32 s11, $0x3;
	s15 =	sshll.u32 s15, $0x12  }
0x17: {  	[tilespmem:s13+$0x0 ss:$0x81] =	vst.msk $0xffff, v1;
	s11 =	sadd.s32 s11, s14;
	s31 =	sor.u32 $0x400, s15  }
0x18: {  	[hbm4b:s11+s31] =	stream.strided.scatter [tilespmem:s12], [sflag:$0x2], $0x2000, s8, s31, $0x20;
	[tilespmem:$0x8080] =	vst v63  }
.LBB1_5:
0x19: {  	s13 =	sadd.s32 $0x1000, s9  }
0x1a: {  	p2 =	sgt.s32 s13, $0x18FFFF  }
0x1b: {  	s13 =	smov.u32 @p2 s3;
	p2 =	sne.s32 s10, s7  }
.Ltmp1:
0x1c: {  	p1 =	slt.u32 s10, $0x2;
	(pc) =	sbr.rel @!p2 .LBB1_6-.Ltmp1, $4  }
0x1d: {  	s12 =	simm.s32 @!p1 $0x2  }
0x1e: {  	s14 =	sadd.s32 $0x1, s10;
	_ =	swait.ge @!p1 [sflag:s12], $0x2000  }
0x1f: {  	s11 =	smov.u32 s9;
	p0 =	por !p0, !p0;
	[sflag:s12] =	ssyncset.done @!p1 $0x0  }
0x20: {  	s10 =	smov.u32 s14;
	s9 =	smov.u32 s13;
	[sflag:s12] =	ssyncadd.s32 @!p1 $0xFFFFE000  }
.LBB1_1:
0x21: {  	p1 =	sge.u32 s10, s6  }
0x22: {  	s12 =	sand.u32 @!p1 $0x1FFFFFF, s9  }
0x23: {  	s13 =	smulhi.u32 @!p1 $0x147AE15, s12;
	_ =	sdelay $0x1  }
0x24: {  	s13 =	sshrl.u32 @!p1 s13, $0xD  }
0x25: {  	s13 =	smul.u32 @!p1 $0x190000, s13;
	_ =	sdelay $0x1  }
0x26: {  	s31 =	sadd.s32 $0xFFFFFFFF, s10;
	s14 =	sxor.u32 @!p1 $0xFFFFFFFF, s10;
	s12 =	ssub.s32 @!p1 s12, s13  }
0x27: {  	s15 =	simm.s32 @!p1 $0x80;
	s14 =	sshll.u32 @!p1 s14, $0xD;
	s12 =	sshll.u32 @!p1 s12, $0x4  }
0x28: {  	s13 =	sand.u32 @!p1 $0x2000, s14;
	s14 =	simm.s32 @!p1 $0x40;
	s12 =	sadd.s32 @!p1 s4, s12  }
0x29: {  	[tilespmem:s13], [sflag:$0x1] =	stream.strided.gather @!p1 [hbm4b:s12+s14], $0x2000, s15, s14, $0x38;
	[tilespmem:$0x8080] =	vst v63  }
0x2a: {  	p1 =	sge.u32 s31, s6  }
.Ltmp2:
0x2b: {  	_ = 	snop;
	(pc) =	sbr.rel @p1 .LBB1_5-.Ltmp2, $1  }
0x2c: {  	_ =	sdelay $0x3  }
0x2d: {  	s12 =	simm.s32 $0x1  }
0x2e: {  	_ =	swait.ge [sflag:s5], $0x2000;
	s12 =	simm.s32 @!p0 $0x0  }
0x2f: {  	[sflag:s5] =	ssyncset.done $0x0;
	s13 =	sshll.u32 s12, $0xD  }
0x30: {  	[sflag:s5] =	ssyncadd.s32 $0xFFFFE000;
	s16 =	sor.u32 $0x20, s13  }
0x31: {  	s12 =	smul.u32 $0x8100, s12;
	v3 =	vld [tilespmem:s16+$0x10]  }
0x32: {  	s30 =	sand.u32 $0x1, s10;
	v2 =	vld [tilespmem:s16+$0xFFFFFFF0]  }
0x33: {  	s13 =	smul.u32 $0x8100, s30;
	s12 =	sshrl.u32 s12, $0x2;
	v0 =	vld [tilespmem:s16+$0x0]  }
0x34: {  	v1 =	vld [tilespmem:s16+$0xFFFFFFE0];
	s14 =	sor.u32 $0x4000, s12  }
0x35: {  	s31 =	sshrl.u32 s13, $0x2;
	s13 =	sadd.s32 $0x0, s14  }
0x36: {  	s15 =	simm.s32 $0x4;
	s16 =	sadd.s32 $0x40, s16;
	s12 =	sor.u32 $0x4000, s31;
	[tilespmem:s13+$0x1830 ss:$0x81] =	vst.msk $0xffff, v3  }
.LBB1_3:
0x37: {  	v3 =	vld [tilespmem:s16+$0x10];
	p1 =	sne.s32 s15, $0x1FC;
	[tilespmem:s13+$0x810 ss:$0x81] =	vst.msk $0xffff, v2;
	s17 =	smov.u32 s15;
	s15 =	sadd.s32 $0x4, s15  }
.Ltmp3:
0x38: {  	v2 =	vld [tilespmem:s16+$0xFFFFFFF0];
	[tilespmem:s13+$0x1020 ss:$0x81] =	vst.msk $0xffff, v0;
	(pc) =	sbr.rel @p1 .LBB1_3-.Ltmp3, $4  }
0x39: {  	v0 =	vld [tilespmem:s16+$0x0];
	[tilespmem:s13+$0x0 ss:$0x81] =	vst.msk $0xffff, v1  }
0x3a: {  	s13 =	sshra.s32 s17, $0x2;
	v1 =	vld [tilespmem:s16+$0xFFFFFFE0]  }
0x3b: {  	s13 =	sadd.s32 s13, s14  }
0x3c: {  	s16 =	sadd.s32 $0x40, s16;
	[tilespmem:s13+$0x1830 ss:$0x81] =	vst.msk $0xffff, v3  }
.Ltmp4:
0x3d: {  	_ = 	snop;
	(pc) =	sbr.rel .LBB1_4-.Ltmp4, $1  }
0x3e: {  	_ =	sdelay $0x3  }
.LBB1_6:
0x3f: {  	_ =	sfence.sel $0x180000  }
0x40: {  	s2 =	simm.s32 $0x1;
	[bflag:$0x0] =	sbarrier.arrive $0xFFFF  }
0x41: {  	s31 =	simm.s32 $0x2;
	[sflag:s2] =	ssyncpa.u1 $0x1  }
0x42: {  	[sflag:s31] =	ssyncpa.u1 $0x1  }
0x43: {  	p0 =	sne.s32 s0, $0x0;
	_ =	strace $0x9000004A  }
0x44: {  	s0 =	sadd.s32 @!p0 $0x100000, s1;
	[bflag:$0x2] =	sbarrier.arrive $0xFFFF  }
0x45: {  	[sflag:s0] =	ssyncadd.tile.s32 @!p0 $0x1;
	_ =	shalt  }
.Lfunc_end1:
_tile_overlayer_lowered:
.L_overlay_start_2:
0x46: {  	(tag) =	ssettag $0x2  }
0x47: {  	s0 =	rddreg [dreg:$0x0];
	s2 =	stileid.u32  }
0x48: {  	s1 =	rddreg [dreg:$0x1];
	p0 =	sne.s32 s2, $0x0  }
0x49: {  	s3 =	rddreg [dreg:$0x2];
	[bflag:$0x3] =	sbarrier.arrive $0xFFFF;
	s2 =	simm.s32 @!p0 $0x1C01  }
0x4a: {  	[timem:s3], [sflag:s2] =	dma.local @!p0 [hbm:s0], s1  }
0x4b: {  	s0 =	simm.s32 @!p0 $0x1  }
0x4c: {  	_ =	swait.ge @!p0 [sflag:s0], s1  }
0x4d: {  	s1 =	ssub.s32 @!p0 $0x0, s1;
	[sflag:s0] =	ssyncset.done @!p0 $0x0  }
0x4e: {  	[sflag:s0] =	ssyncadd.s32 @!p0 s1  }
0x4f: {  	[bflag:$0x3] =	sbarrier.arrive $0xFFFF  }
0x50: {  	_ =	shalt  }

</sc_bundles>
